<compile_context>
chip_gen: v7x
topology: tpu7x:2x2x1
jax: 0.10.2.dev20260603
libtpu: 0.0.44.dev20260713+nightly
codegen_flags: <defaults>
</compile_context>

<pallas_src>
import functools

import jax
import jax.numpy as jnp
from jax import lax
from jax.experimental import pallas as pl
from jax.experimental.pallas import tpu as pltpu
from jax.experimental.pallas import tpu_sc as plsc

B = 4096
L = 200
D = 64
NUM_ROWS = 1000

_info = plsc.get_sparse_core_info()
NC = _info.num_cores
NS = _info.num_subcores
NW = NC * NS

_mesh = plsc.VectorSubcoreMesh(core_axis_name="c", subcore_axis_name="s")


@functools.partial(
    pl.kernel,
    mesh=_mesh,
    out_type=jax.ShapeDtypeStruct((L, 8, NW, 8, 128), jnp.float32),
    scratch_types=[
        pltpu.VMEM((L // 8, 8, 128), jnp.int32),
        pltpu.VMEM((NUM_ROWS, D + 1), jnp.float32),
        pltpu.VMEM((2, 8, 8, 128), jnp.float32),
        pltpu.SemaphoreType.DMA,
        pltpu.SemaphoreType.DMA,
    ],
    compiler_params=pltpu.CompilerParams(
        use_tc_tiling_on_sc=False, needs_layout_passes=False),
)
def _gather_kernel(idx_hbm, table_hbm, out_hbm, idx_v, table_v, buf_v,
                   s0, s1):
    wid = lax.axis_index("s") * NC + lax.axis_index("c")
    ssem = (s0, s1)

    pltpu.sync_copy(table_hbm, table_v.at[:, pl.ds(0, D)])
    pltpu.sync_copy(idx_hbm.at[:, wid], idx_v)

    def store(l, p):
        return pltpu.make_async_copy(
            buf_v.at[p], out_hbm.at[l, :, wid], ssem[p])

    def compute(l, p):
        idx16s = [idx_v[l // 8, l % 8, pl.ds(bg * 16, 16)]
                  for bg in range(8)]

        @plsc.parallel_loop(0, D, unroll=4)
        def _d_loop(d):
            col = jnp.full((16,), 0, jnp.int32) + d
            for bg in range(8):
                v = plsc.load_gather(table_v, [idx16s[bg], col])
                buf_v[p, d // 8, d % 8, pl.ds(bg * 16, 16)] = v

    def body(g, carry):
        for p in range(2):
            l = g * 2 + p

            @pl.when(g > 0)
            def _wait_prev():
                store(l - 2, p).wait()

            compute(l, p)
            store(l, p).start()
        return carry

    lax.fori_loop(0, L // 2, body, 0)
    for p in range(2):
        store(L - 2 + p, p).wait()


def kernel(visit_segments, embedding_table):
    idx4 = visit_segments.reshape(NW, 128, L // 8, 8).transpose(2, 0, 3, 1)
    out5 = _gather_kernel(idx4, embedding_table)
    return out5.transpose(2, 4, 0, 1, 3).reshape(B, L, D)

# --- scband reference (transcript-rebuilt; emitter-appended) ---
"""Pipeline reference for scband-visit-embedding-16140487098516 (READ-ONLY COPY).

The authoritative reference and input builder live on the scoring server;
editing this copy changes nothing except your own understanding.
"""

import jax, jax.numpy as jnp
import numpy as np

NUM_SEGMENTS = 1000
EMBED_DIM = 64
B = 4096
L = 200

def setup_inputs(seed: int = 0) -> dict:
    key = jax.random.key(seed)
    k_idx, k_tab = jax.random.split(key)
    visit_segments = jax.random.randint(k_idx, (B, L), 0, NUM_SEGMENTS, dtype=jnp.int64 if jax.config.jax_enable_x64 else jnp.int32)
    embedding_table = jax.random.normal(k_tab, (NUM_SEGMENTS, EMBED_DIM), dtype=jnp.float32)
    return {"visit_segments": visit_segments, "embedding_table": embedding_table}

def reference(visit_segments, embedding_table):
    # nn.Embedding forward: row gather from the learned table
    return jnp.take(embedding_table, visit_segments, axis=0)

if __name__ == "__main__":
    import jax
    _d = setup_inputs()
    print(jax.jit(kernel)(*tuple(_d.values())))

</pallas_src>

<mosaic_0001>
#map = affine_map<(d0, d1) -> (0, 0, 0, 0)>
#map1 = affine_map<(d0, d1) -> (0, 0)>
#map2 = affine_map<(d0, d1) -> (0, 0, 0, 0, 0)>
module attributes {stable_mosaic.version = 14 : i64} {
  func.func @_gather_kernel(%arg0: i32, %arg1: i32, %arg2: memref<25x32x8x128xi32, #tpu.memory_space<hbm>>, %arg3: memref<1000x64xf32, #tpu.memory_space<hbm>>, %arg4: memref<200x8x32x8x128xf32, #tpu.memory_space<hbm>>, %arg5: memref<25x8x128xi32, #tpu.memory_space<vmem>>, %arg6: memref<1000x65xf32, #tpu.memory_space<vmem>>, %arg7: memref<2x8x8x128xf32, #tpu.memory_space<vmem>>, %arg8: memref<!tpu.dma_semaphore, #tpu.memory_space<semaphore_mem>>, %arg9: memref<!tpu.dma_semaphore, #tpu.memory_space<semaphore_mem>>) attributes {dimension_semantics = [#tpu.dimension_semantics<core_parallel>, #tpu.dimension_semantics<subcore_parallel>], iteration_bounds = array<i64: 2, 16>, scalar_prefetch = 0 : i64, scratch_operands = 5 : i64, tpu.core_type = #tpu.core_type<sc_vector_subcore>, window_params = [{transform_indices = #map}, {transform_indices = #map1}, {transform_indices = #map2}]} {
    %mul3A = arith.constant 2 : i32
    %mul3A_0 = arith.muli %arg1, %mul3A : i32
    %add3A = arith.addi %mul3A_0, %arg0 : i32
    "tpu.region"() ({
      %run_scoped3A = tpu.sem_alloc : memref<!tpu.dma_semaphore, #tpu.memory_space<semaphore_mem>>
      %dma_start3A = arith.constant 0 : i32
      %dma_start3A_49 = arith.constant 0 : i32
      %dma_start3A_50 = tpu.memref_slice %arg6[%dma_start3A, %dma_start3A_49] : memref<1000x65xf32, #tpu.memory_space<vmem>> -> memref<1000x64xf32, #tpu.memory_space<vmem>>
      %dma_start3A_51 = arith.constant 0 : i32
      %dma_start3A_52 = arith.constant 0 : i32
      %dma_start3A_53 = tpu.memref_slice %arg6[%dma_start3A_51, %dma_start3A_52] : memref<1000x65xf32, #tpu.memory_space<vmem>> -> memref<1000x64xf32, #tpu.memory_space<vmem>>
      tpu.enqueue_dma source(%arg3 : memref<1000x64xf32, #tpu.memory_space<hbm>>) target(%dma_start3A_53 : memref<1000x64xf32, #tpu.memory_space<vmem>>) target_semaphore(%run_scoped3A : memref<!tpu.dma_semaphore, #tpu.memory_space<semaphore_mem>>)
      %dma_wait3A_54 = arith.constant 0 : i32
      %dma_wait3A_55 = arith.constant 0 : i32
      %dma_wait3A_56 = tpu.memref_slice %arg6[%dma_wait3A_54, %dma_wait3A_55] : memref<1000x65xf32, #tpu.memory_space<vmem>> -> memref<1000x64xf32, #tpu.memory_space<vmem>>
      %dma_wait3A_57 = arith.constant 0 : i32
      %dma_wait3A_58 = arith.constant 0 : i32
      %dma_wait3A_59 = tpu.memref_slice %arg6[%dma_wait3A_57, %dma_wait3A_58] : memref<1000x65xf32, #tpu.memory_space<vmem>> -> memref<1000x64xf32, #tpu.memory_space<vmem>>
      tpu.wait_dma2 semaphore(%run_scoped3A : memref<!tpu.dma_semaphore, #tpu.memory_space<semaphore_mem>>) src(%arg3 : memref<1000x64xf32, #tpu.memory_space<hbm>>) dst(%dma_wait3A_59 : memref<1000x64xf32, #tpu.memory_space<vmem>>)
      tpu.yield
    }) : () -> ()
    "tpu.region"() ({
      %run_scoped3A = tpu.sem_alloc : memref<!tpu.dma_semaphore, #tpu.memory_space<semaphore_mem>>
      %dma_start3A = arith.constant 0 : i32
      %dma_start3A_49 = arith.constant 0 : i32
      %dma_start3A_50 = arith.constant 0 : i32
      %dma_start3A_51 = tpu.memref_slice %arg2[%dma_start3A, %add3A, %dma_start3A_49, %dma_start3A_50] : memref<25x32x8x128xi32, #tpu.memory_space<hbm>> -> memref<25x1x8x128xi32, #tpu.memory_space<hbm>>
      %dma_start3A_52 = tpu.memref_squeeze %dma_start3A_51 : memref<25x1x8x128xi32, #tpu.memory_space<hbm>> -> memref<25x8x128xi32, #tpu.memory_space<hbm>>
      %dma_start3A_53 = arith.constant 0 : i32
      %dma_start3A_54 = arith.constant 0 : i32
      %dma_start3A_55 = arith.constant 0 : i32
      %dma_start3A_56 = tpu.memref_slice %arg2[%dma_start3A_53, %add3A, %dma_start3A_54, %dma_start3A_55] : memref<25x32x8x128xi32, #tpu.memory_space<hbm>> -> memref<25x1x8x128xi32, #tpu.memory_space<hbm>>
      %dma_start3A_57 = tpu.memref_squeeze %dma_start3A_56 : memref<25x1x8x128xi32, #tpu.memory_space<hbm>> -> memref<25x8x128xi32, #tpu.memory_space<hbm>>
      tpu.enqueue_dma source(%dma_start3A_57 : memref<25x8x128xi32, #tpu.memory_space<hbm>>) target(%arg5 : memref<25x8x128xi32, #tpu.memory_space<vmem>>) target_semaphore(%run_scoped3A : memref<!tpu.dma_semaphore, #tpu.memory_space<semaphore_mem>>)
      %dma_wait3A_58 = arith.constant 0 : i32
      %dma_wait3A_59 = arith.constant 0 : i32
      %dma_wait3A_60 = arith.constant 0 : i32
      %dma_wait3A_61 = tpu.memref_slice %arg2[%dma_wait3A_58, %add3A, %dma_wait3A_59, %dma_wait3A_60] : memref<25x32x8x128xi32, #tpu.memory_space<hbm>> -> memref<25x1x8x128xi32, #tpu.memory_space<hbm>>
      %dma_wait3A_62 = tpu.memref_squeeze %dma_wait3A_61 : memref<25x1x8x128xi32, #tpu.memory_space<hbm>> -> memref<25x8x128xi32, #tpu.memory_space<hbm>>
      %dma_wait3A_63 = arith.constant 0 : i32
      %dma_wait3A_64 = arith.constant 0 : i32
      %dma_wait3A_65 = arith.constant 0 : i32
      %dma_wait3A_66 = tpu.memref_slice %arg2[%dma_wait3A_63, %add3A, %dma_wait3A_64, %dma_wait3A_65] : memref<25x32x8x128xi32, #tpu.memory_space<hbm>> -> memref<25x1x8x128xi32, #tpu.memory_space<hbm>>
      %dma_wait3A_67 = tpu.memref_squeeze %dma_wait3A_66 : memref<25x1x8x128xi32, #tpu.memory_space<hbm>> -> memref<25x8x128xi32, #tpu.memory_space<hbm>>
      tpu.wait_dma2 semaphore(%run_scoped3A : memref<!tpu.dma_semaphore, #tpu.memory_space<semaphore_mem>>) src(%dma_wait3A_67 : memref<25x8x128xi32, #tpu.memory_space<hbm>>) dst(%arg5 : memref<25x8x128xi32, #tpu.memory_space<vmem>>)
      tpu.yield
    }) : () -> ()
    %scan3A = arith.constant 0 : i32
    %scan3A_1 = arith.constant 0 : i32
    %scan3A_2 = arith.constant 100 : i32
    %scan3A_3 = arith.addi %scan3A_1, %scan3A_2 : i32
    %scan3A_4 = arith.constant 1 : i32
    scf.for %scan3A_49 = %scan3A_1 to %scan3A_3 step %scan3A_4  : i32 {
      %mul3A_50 = arith.constant 2 : i32
      %mul3A_51 = arith.muli %scan3A_49, %mul3A_50 : i32
      %add3A_52 = arith.constant 0 : i32
      %add3A_53 = arith.addi %mul3A_51, %add3A_52 : i32
      %gt3A = arith.constant 0 : i32
      %gt3A_54 = arith.cmpi sgt, %scan3A_49, %gt3A : i32
      %convert_element_type3A = arith.extui %gt3A_54 : i1 to i32
      %cond3A = arith.constant 0 : i32
      %cond3A_55 = arith.cmpi ne, %convert_element_type3A, %cond3A : i32
      scf.if %cond3A_55 {
        %sub3A_804 = arith.constant 2 : i32
        %sub3A_805 = arith.subi %add3A_53, %sub3A_804 : i32
        %dma_wait3A_806 = arith.constant 0 : i32
        %dma_wait3A_807 = arith.constant 0 : i32
        %dma_wait3A_808 = arith.constant 0 : i32
        %dma_wait3A_809 = arith.constant 0 : i32
        %dma_wait3A_810 = tpu.memref_slice %arg7[%dma_wait3A_806, %dma_wait3A_807, %dma_wait3A_808, %dma_wait3A_809] : memref<2x8x8x128xf32, #tpu.memory_space<vmem>> -> memref<1x8x8x128xf32, #tpu.memory_space<vmem>>
        %dma_wait3A_811 = tpu.memref_squeeze %dma_wait3A_810 : memref<1x8x8x128xf32, #tpu.memory_space<vmem>> -> memref<8x8x128xf32, #tpu.memory_space<vmem>>
        %dma_wait3A_812 = arith.constant 0 : i32
        %dma_wait3A_813 = arith.constant 0 : i32
        %dma_wait3A_814 = arith.constant 0 : i32
        %dma_wait3A_815 = tpu.memref_slice %arg4[%sub3A_805, %dma_wait3A_812, %add3A, %dma_wait3A_813, %dma_wait3A_814] : memref<200x8x32x8x128xf32, #tpu.memory_space<hbm>> -> memref<1x8x1x8x128xf32, #tpu.memory_space<hbm>>
        %dma_wait3A_816 = tpu.memref_squeeze %dma_wait3A_815 : memref<1x8x1x8x128xf32, #tpu.memory_space<hbm>> -> memref<8x8x128xf32, #tpu.memory_space<hbm>>
        %dma_wait3A_817 = arith.constant 0 : i32
        %dma_wait3A_818 = arith.constant 0 : i32
        %dma_wait3A_819 = arith.constant 0 : i32
        %dma_wait3A_820 = tpu.memref_slice %arg4[%sub3A_805, %dma_wait3A_817, %add3A, %dma_wait3A_818, %dma_wait3A_819] : memref<200x8x32x8x128xf32, #tpu.memory_space<hbm>> -> memref<1x8x1x8x128xf32, #tpu.memory_space<hbm>>
        %dma_wait3A_821 = tpu.memref_squeeze %dma_wait3A_820 : memref<1x8x1x8x128xf32, #tpu.memory_space<hbm>> -> memref<8x8x128xf32, #tpu.memory_space<hbm>>
        %dma_wait3A_822 = arith.constant 0 : i32
        %dma_wait3A_823 = arith.constant 0 : i32
        %dma_wait3A_824 = arith.constant 0 : i32
        %dma_wait3A_825 = tpu.memref_slice %arg7[%dma_wait3A_806, %dma_wait3A_822, %dma_wait3A_823, %dma_wait3A_824] : memref<2x8x8x128xf32, #tpu.memory_space<vmem>> -> memref<1x8x8x128xf32, #tpu.memory_space<vmem>>
        %dma_wait3A_826 = tpu.memref_squeeze %dma_wait3A_825 : memref<1x8x8x128xf32, #tpu.memory_space<vmem>> -> memref<8x8x128xf32, #tpu.memory_space<vmem>>
        tpu.wait_dma2 semaphore(%arg8 : memref<!tpu.dma_semaphore, #tpu.memory_space<semaphore_mem>>) src(%dma_wait3A_826 : memref<8x8x128xf32, #tpu.memory_space<vmem>>) dst(%dma_wait3A_821 : memref<8x8x128xf32, #tpu.memory_space<hbm>>)
      } else {
      }
      %jit3A = arith.constant 8 : i32
      %div3A = arith.divsi %add3A_53, %jit3A : i32
      %sign3A = arith.constant 0 : i32
      %sign3A_56 = arith.cmpi sgt, %add3A_53, %sign3A : i32
      %sign3A_57 = arith.extui %sign3A_56 : i1 to i32
      %sign3A_58 = arith.constant 0 : i32
      %sign3A_59 = arith.cmpi slt, %add3A_53, %sign3A_58 : i32
      %sign3A_60 = arith.extui %sign3A_59 : i1 to i32
      %sign3A_61 = arith.subi %sign3A_57, %sign3A_60 : i32
      %sign3A_62 = arith.constant 0 : i32
      %sign3A_63 = arith.cmpi sgt, %jit3A, %sign3A_62 : i32
      %sign3A_64 = arith.extui %sign3A_63 : i1 to i32
      %sign3A_65 = arith.constant 0 : i32
      %sign3A_66 = arith.cmpi slt, %jit3A, %sign3A_65 : i32
      %sign3A_67 = arith.extui %sign3A_66 : i1 to i32
      %sign3A_68 = arith.subi %sign3A_64, %sign3A_67 : i32
      %ne3A = arith.cmpi ne, %sign3A_61, %sign3A_68 : i32
      %rem3A = arith.remsi %add3A_53, %jit3A : i32
      %ne3A_69 = arith.constant 0 : i32
      %ne3A_70 = arith.cmpi ne, %rem3A, %ne3A_69 : i32
      %and3A = arith.andi %ne3A, %ne3A_70 : i1
      %sub3A = arith.constant 1 : i32
      %sub3A_71 = arith.subi %div3A, %sub3A : i32
      %select_n3A = arith.select %and3A, %sub3A_71, %div3A : i32
      %jit3A_72 = arith.constant 8 : i32
      %eq3A = arith.constant 0 : i32
      %eq3A_73 = arith.cmpi eq, %jit3A_72, %eq3A : i32
      %jit3A_74 = arith.constant 1 : i32
      %select_n3A_75 = arith.select %eq3A_73, %jit3A_74, %jit3A_72 : i32
      %rem3A_76 = arith.remsi %add3A_53, %select_n3A_75 : i32
      %ne3A_77 = arith.constant 0 : i32
      %ne3A_78 = arith.cmpi ne, %rem3A_76, %ne3A_77 : i32
      %lt3A = arith.constant 0 : i32
      %lt3A_79 = arith.cmpi slt, %rem3A_76, %lt3A : i32
      %lt3A_80 = arith.constant 0 : i32
      %lt3A_81 = arith.cmpi slt, %select_n3A_75, %lt3A_80 : i32
      %ne3A_82 = arith.xori %lt3A_79, %lt3A_81 : i1
      %and3A_83 = arith.andi %ne3A_82, %ne3A_78 : i1
      %add3A_84 = arith.addi %rem3A_76, %select_n3A_75 : i32
      %select_n3A_85 = arith.select %and3A_83, %add3A_84, %rem3A_76 : i32
      %get3A = arith.index_cast %select_n3A : i32 to index
      %get3A_86 = arith.index_cast %select_n3A_85 : i32 to index
      %get3A_87 = arith.constant 0 : index
      %get3A_88 = tpu.vector_load %arg5[%get3A, %get3A_86, %get3A_87] {strides = array<i32>} : memref<25x8x128xi32, #tpu.memory_space<vmem>>, vector<16xi32>,
      %jit3A_89 = arith.constant 8 : i32
      %div3A_90 = arith.divsi %add3A_53, %jit3A_89 : i32
      %sign3A_91 = arith.constant 0 : i32
      %sign3A_92 = arith.cmpi sgt, %add3A_53, %sign3A_91 : i32
      %sign3A_93 = arith.extui %sign3A_92 : i1 to i32
      %sign3A_94 = arith.constant 0 : i32
      %sign3A_95 = arith.cmpi slt, %add3A_53, %sign3A_94 : i32
      %sign3A_96 = arith.extui %sign3A_95 : i1 to i32
      %sign3A_97 = arith.subi %sign3A_93, %sign3A_96 : i32
      %sign3A_98 = arith.constant 0 : i32
      %sign3A_99 = arith.cmpi sgt, %jit3A_89, %sign3A_98 : i32
      %sign3A_100 = arith.extui %sign3A_99 : i1 to i32
      %sign3A_101 = arith.constant 0 : i32
      %sign3A_102 = arith.cmpi slt, %jit3A_89, %sign3A_101 : i32
      %sign3A_103 = arith.extui %sign3A_102 : i1 to i32
      %sign3A_104 = arith.subi %sign3A_100, %sign3A_103 : i32
      %ne3A_105 = arith.cmpi ne, %sign3A_97, %sign3A_104 : i32
      %rem3A_106 = arith.remsi %add3A_53, %jit3A_89 : i32
      %ne3A_107 = arith.constant 0 : i32
      %ne3A_108 = arith.cmpi ne, %rem3A_106, %ne3A_107 : i32
      %and3A_109 = arith.andi %ne3A_105, %ne3A_108 : i1
      %sub3A_110 = arith.constant 1 : i32
      %sub3A_111 = arith.subi %div3A_90, %sub3A_110 : i32
      %select_n3A_112 = arith.select %and3A_109, %sub3A_111, %div3A_90 : i32
      %jit3A_113 = arith.constant 8 : i32
      %eq3A_114 = arith.constant 0 : i32
      %eq3A_115 = arith.cmpi eq, %jit3A_113, %eq3A_114 : i32
      %jit3A_116 = arith.constant 1 : i32
      %select_n3A_117 = arith.select %eq3A_115, %jit3A_116, %jit3A_113 : i32
      %rem3A_118 = arith.remsi %add3A_53, %select_n3A_117 : i32
      %ne3A_119 = arith.constant 0 : i32
      %ne3A_120 = arith.cmpi ne, %rem3A_118, %ne3A_119 : i32
      %lt3A_121 = arith.constant 0 : i32
      %lt3A_122 = arith.cmpi slt, %rem3A_118, %lt3A_121 : i32
      %lt3A_123 = arith.constant 0 : i32
      %lt3A_124 = arith.cmpi slt, %select_n3A_117, %lt3A_123 : i32
      %ne3A_125 = arith.xori %lt3A_122, %lt3A_124 : i1
      %and3A_126 = arith.andi %ne3A_125, %ne3A_120 : i1
      %add3A_127 = arith.addi %rem3A_118, %select_n3A_117 : i32
      %select_n3A_128 = arith.select %and3A_126, %add3A_127, %rem3A_118 : i32
      %get3A_129 = arith.index_cast %select_n3A_112 : i32 to index
      %get3A_130 = arith.index_cast %select_n3A_128 : i32 to index
      %get3A_131 = arith.constant 16 : index
      %get3A_132 = tpu.vector_load %arg5[%get3A_129, %get3A_130, %get3A_131] {strides = array<i32>} : memref<25x8x128xi32, #tpu.memory_space<vmem>>, vector<16xi32>,
      %jit3A_133 = arith.constant 8 : i32
      %div3A_134 = arith.divsi %add3A_53, %jit3A_133 : i32
      %sign3A_135 = arith.constant 0 : i32
      %sign3A_136 = arith.cmpi sgt, %add3A_53, %sign3A_135 : i32
      %sign3A_137 = arith.extui %sign3A_136 : i1 to i32
      %sign3A_138 = arith.constant 0 : i32
      %sign3A_139 = arith.cmpi slt, %add3A_53, %sign3A_138 : i32
      %sign3A_140 = arith.extui %sign3A_139 : i1 to i32
      %sign3A_141 = arith.subi %sign3A_137, %sign3A_140 : i32
      %sign3A_142 = arith.constant 0 : i32
      %sign3A_143 = arith.cmpi sgt, %jit3A_133, %sign3A_142 : i32
      %sign3A_144 = arith.extui %sign3A_143 : i1 to i32
      %sign3A_145 = arith.constant 0 : i32
      %sign3A_146 = arith.cmpi slt, %jit3A_133, %sign3A_145 : i32
      %sign3A_147 = arith.extui %sign3A_146 : i1 to i32
      %sign3A_148 = arith.subi %sign3A_144, %sign3A_147 : i32
      %ne3A_149 = arith.cmpi ne, %sign3A_141, %sign3A_148 : i32
      %rem3A_150 = arith.remsi %add3A_53, %jit3A_133 : i32
      %ne3A_151 = arith.constant 0 : i32
      %ne3A_152 = arith.cmpi ne, %rem3A_150, %ne3A_151 : i32
      %and3A_153 = arith.andi %ne3A_149, %ne3A_152 : i1
      %sub3A_154 = arith.constant 1 : i32
      %sub3A_155 = arith.subi %div3A_134, %sub3A_154 : i32
      %select_n3A_156 = arith.select %and3A_153, %sub3A_155, %div3A_134 : i32
      %jit3A_157 = arith.constant 8 : i32
      %eq3A_158 = arith.constant 0 : i32
      %eq3A_159 = arith.cmpi eq, %jit3A_157, %eq3A_158 : i32
      %jit3A_160 = arith.constant 1 : i32
      %select_n3A_161 = arith.select %eq3A_159, %jit3A_160, %jit3A_157 : i32
      %rem3A_162 = arith.remsi %add3A_53, %select_n3A_161 : i32
      %ne3A_163 = arith.constant 0 : i32
      %ne3A_164 = arith.cmpi ne, %rem3A_162, %ne3A_163 : i32
      %lt3A_165 = arith.constant 0 : i32
      %lt3A_166 = arith.cmpi slt, %rem3A_162, %lt3A_165 : i32
      %lt3A_167 = arith.constant 0 : i32
      %lt3A_168 = arith.cmpi slt, %select_n3A_161, %lt3A_167 : i32
      %ne3A_169 = arith.xori %lt3A_166, %lt3A_168 : i1
      %and3A_170 = arith.andi %ne3A_169, %ne3A_164 : i1
      %add3A_171 = arith.addi %rem3A_162, %select_n3A_161 : i32
      %select_n3A_172 = arith.select %and3A_170, %add3A_171, %rem3A_162 : i32
      %get3A_173 = arith.index_cast %select_n3A_156 : i32 to index
      %get3A_174 = arith.index_cast %select_n3A_172 : i32 to index
      %get3A_175 = arith.constant 32 : index
      %get3A_176 = tpu.vector_load %arg5[%get3A_173, %get3A_174, %get3A_175] {strides = array<i32>} : memref<25x8x128xi32, #tpu.memory_space<vmem>>, vector<16xi32>,
      %jit3A_177 = arith.constant 8 : i32
      %div3A_178 = arith.divsi %add3A_53, %jit3A_177 : i32
      %sign3A_179 = arith.constant 0 : i32
      %sign3A_180 = arith.cmpi sgt, %add3A_53, %sign3A_179 : i32
      %sign3A_181 = arith.extui %sign3A_180 : i1 to i32
      %sign3A_182 = arith.constant 0 : i32
      %sign3A_183 = arith.cmpi slt, %add3A_53, %sign3A_182 : i32
      %sign3A_184 = arith.extui %sign3A_183 : i1 to i32
      %sign3A_185 = arith.subi %sign3A_181, %sign3A_184 : i32
      %sign3A_186 = arith.constant 0 : i32
      %sign3A_187 = arith.cmpi sgt, %jit3A_177, %sign3A_186 : i32
      %sign3A_188 = arith.extui %sign3A_187 : i1 to i32
      %sign3A_189 = arith.constant 0 : i32
      %sign3A_190 = arith.cmpi slt, %jit3A_177, %sign3A_189 : i32
      %sign3A_191 = arith.extui %sign3A_190 : i1 to i32
      %sign3A_192 = arith.subi %sign3A_188, %sign3A_191 : i32
      %ne3A_193 = arith.cmpi ne, %sign3A_185, %sign3A_192 : i32
      %rem3A_194 = arith.remsi %add3A_53, %jit3A_177 : i32
      %ne3A_195 = arith.constant 0 : i32
      %ne3A_196 = arith.cmpi ne, %rem3A_194, %ne3A_195 : i32
      %and3A_197 = arith.andi %ne3A_193, %ne3A_196 : i1
      %sub3A_198 = arith.constant 1 : i32
      %sub3A_199 = arith.subi %div3A_178, %sub3A_198 : i32
      %select_n3A_200 = arith.select %and3A_197, %sub3A_199, %div3A_178 : i32
      %jit3A_201 = arith.constant 8 : i32
      %eq3A_202 = arith.constant 0 : i32
      %eq3A_203 = arith.cmpi eq, %jit3A_201, %eq3A_202 : i32
      %jit3A_204 = arith.constant 1 : i32
      %select_n3A_205 = arith.select %eq3A_203, %jit3A_204, %jit3A_201 : i32
      %rem3A_206 = arith.remsi %add3A_53, %select_n3A_205 : i32
      %ne3A_207 = arith.constant 0 : i32
      %ne3A_208 = arith.cmpi ne, %rem3A_206, %ne3A_207 : i32
      %lt3A_209 = arith.constant 0 : i32
      %lt3A_210 = arith.cmpi slt, %rem3A_206, %lt3A_209 : i32
      %lt3A_211 = arith.constant 0 : i32
      %lt3A_212 = arith.cmpi slt, %select_n3A_205, %lt3A_211 : i32
      %ne3A_213 = arith.xori %lt3A_210, %lt3A_212 : i1
      %and3A_214 = arith.andi %ne3A_213, %ne3A_208 : i1
      %add3A_215 = arith.addi %rem3A_206, %select_n3A_205 : i32
      %select_n3A_216 = arith.select %and3A_214, %add3A_215, %rem3A_206 : i32
      %get3A_217 = arith.index_cast %select_n3A_200 : i32 to index
      %get3A_218 = arith.index_cast %select_n3A_216 : i32 to index
      %get3A_219 = arith.constant 48 : index
      %get3A_220 = tpu.vector_load %arg5[%get3A_217, %get3A_218, %get3A_219] {strides = array<i32>} : memref<25x8x128xi32, #tpu.memory_space<vmem>>, vector<16xi32>,
      %jit3A_221 = arith.constant 8 : i32
      %div3A_222 = arith.divsi %add3A_53, %jit3A_221 : i32
      %sign3A_223 = arith.constant 0 : i32
      %sign3A_224 = arith.cmpi sgt, %add3A_53, %sign3A_223 : i32
      %sign3A_225 = arith.extui %sign3A_224 : i1 to i32
      %sign3A_226 = arith.constant 0 : i32
      %sign3A_227 = arith.cmpi slt, %add3A_53, %sign3A_226 : i32
      %sign3A_228 = arith.extui %sign3A_227 : i1 to i32
      %sign3A_229 = arith.subi %sign3A_225, %sign3A_228 : i32
      %sign3A_230 = arith.constant 0 : i32
      %sign3A_231 = arith.cmpi sgt, %jit3A_221, %sign3A_230 : i32
      %sign3A_232 = arith.extui %sign3A_231 : i1 to i32
      %sign3A_233 = arith.constant 0 : i32
      %sign3A_234 = arith.cmpi slt, %jit3A_221, %sign3A_233 : i32
      %sign3A_235 = arith.extui %sign3A_234 : i1 to i32
      %sign3A_236 = arith.subi %sign3A_232, %sign3A_235 : i32
      %ne3A_237 = arith.cmpi ne, %sign3A_229, %sign3A_236 : i32
      %rem3A_238 = arith.remsi %add3A_53, %jit3A_221 : i32
      %ne3A_239 = arith.constant 0 : i32
      %ne3A_240 = arith.cmpi ne, %rem3A_238, %ne3A_239 : i32
      %and3A_241 = arith.andi %ne3A_237, %ne3A_240 : i1
      %sub3A_242 = arith.constant 1 : i32
      %sub3A_243 = arith.subi %div3A_222, %sub3A_242 : i32
      %select_n3A_244 = arith.select %and3A_241, %sub3A_243, %div3A_222 : i32
      %jit3A_245 = arith.constant 8 : i32
      %eq3A_246 = arith.constant 0 : i32
      %eq3A_247 = arith.cmpi eq, %jit3A_245, %eq3A_246 : i32
      %jit3A_248 = arith.constant 1 : i32
      %select_n3A_249 = arith.select %eq3A_247, %jit3A_248, %jit3A_245 : i32
      %rem3A_250 = arith.remsi %add3A_53, %select_n3A_249 : i32
      %ne3A_251 = arith.constant 0 : i32
      %ne3A_252 = arith.cmpi ne, %rem3A_250, %ne3A_251 : i32
      %lt3A_253 = arith.constant 0 : i32
      %lt3A_254 = arith.cmpi slt, %rem3A_250, %lt3A_253 : i32
      %lt3A_255 = arith.constant 0 : i32
      %lt3A_256 = arith.cmpi slt, %select_n3A_249, %lt3A_255 : i32
      %ne3A_257 = arith.xori %lt3A_254, %lt3A_256 : i1
      %and3A_258 = arith.andi %ne3A_257, %ne3A_252 : i1
      %add3A_259 = arith.addi %rem3A_250, %select_n3A_249 : i32
      %select_n3A_260 = arith.select %and3A_258, %add3A_259, %rem3A_250 : i32
      %get3A_261 = arith.index_cast %select_n3A_244 : i32 to index
      %get3A_262 = arith.index_cast %select_n3A_260 : i32 to index
      %get3A_263 = arith.constant 64 : index
      %get3A_264 = tpu.vector_load %arg5[%get3A_261, %get3A_262, %get3A_263] {strides = array<i32>} : memref<25x8x128xi32, #tpu.memory_space<vmem>>, vector<16xi32>,
      %jit3A_265 = arith.constant 8 : i32
      %div3A_266 = arith.divsi %add3A_53, %jit3A_265 : i32
      %sign3A_267 = arith.constant 0 : i32
      %sign3A_268 = arith.cmpi sgt, %add3A_53, %sign3A_267 : i32
      %sign3A_269 = arith.extui %sign3A_268 : i1 to i32
      %sign3A_270 = arith.constant 0 : i32
      %sign3A_271 = arith.cmpi slt, %add3A_53, %sign3A_270 : i32
      %sign3A_272 = arith.extui %sign3A_271 : i1 to i32
      %sign3A_273 = arith.subi %sign3A_269, %sign3A_272 : i32
      %sign3A_274 = arith.constant 0 : i32
      %sign3A_275 = arith.cmpi sgt, %jit3A_265, %sign3A_274 : i32
      %sign3A_276 = arith.extui %sign3A_275 : i1 to i32
      %sign3A_277 = arith.constant 0 : i32
      %sign3A_278 = arith.cmpi slt, %jit3A_265, %sign3A_277 : i32
      %sign3A_279 = arith.extui %sign3A_278 : i1 to i32
      %sign3A_280 = arith.subi %sign3A_276, %sign3A_279 : i32
      %ne3A_281 = arith.cmpi ne, %sign3A_273, %sign3A_280 : i32
      %rem3A_282 = arith.remsi %add3A_53, %jit3A_265 : i32
      %ne3A_283 = arith.constant 0 : i32
      %ne3A_284 = arith.cmpi ne, %rem3A_282, %ne3A_283 : i32
      %and3A_285 = arith.andi %ne3A_281, %ne3A_284 : i1
      %sub3A_286 = arith.constant 1 : i32
      %sub3A_287 = arith.subi %div3A_266, %sub3A_286 : i32
      %select_n3A_288 = arith.select %and3A_285, %sub3A_287, %div3A_266 : i32
      %jit3A_289 = arith.constant 8 : i32
      %eq3A_290 = arith.constant 0 : i32
      %eq3A_291 = arith.cmpi eq, %jit3A_289, %eq3A_290 : i32
      %jit3A_292 = arith.constant 1 : i32
      %select_n3A_293 = arith.select %eq3A_291, %jit3A_292, %jit3A_289 : i32
      %rem3A_294 = arith.remsi %add3A_53, %select_n3A_293 : i32
      %ne3A_295 = arith.constant 0 : i32
      %ne3A_296 = arith.cmpi ne, %rem3A_294, %ne3A_295 : i32
      %lt3A_297 = arith.constant 0 : i32
      %lt3A_298 = arith.cmpi slt, %rem3A_294, %lt3A_297 : i32
      %lt3A_299 = arith.constant 0 : i32
      %lt3A_300 = arith.cmpi slt, %select_n3A_293, %lt3A_299 : i32
      %ne3A_301 = arith.xori %lt3A_298, %lt3A_300 : i1
      %and3A_302 = arith.andi %ne3A_301, %ne3A_296 : i1
      %add3A_303 = arith.addi %rem3A_294, %select_n3A_293 : i32
      %select_n3A_304 = arith.select %and3A_302, %add3A_303, %rem3A_294 : i32
      %get3A_305 = arith.index_cast %select_n3A_288 : i32 to index
      %get3A_306 = arith.index_cast %select_n3A_304 : i32 to index
      %get3A_307 = arith.constant 80 : index
      %get3A_308 = tpu.vector_load %arg5[%get3A_305, %get3A_306, %get3A_307] {strides = array<i32>} : memref<25x8x128xi32, #tpu.memory_space<vmem>>, vector<16xi32>,
      %jit3A_309 = arith.constant 8 : i32
      %div3A_310 = arith.divsi %add3A_53, %jit3A_309 : i32
      %sign3A_311 = arith.constant 0 : i32
      %sign3A_312 = arith.cmpi sgt, %add3A_53, %sign3A_311 : i32
      %sign3A_313 = arith.extui %sign3A_312 : i1 to i32
      %sign3A_314 = arith.constant 0 : i32
      %sign3A_315 = arith.cmpi slt, %add3A_53, %sign3A_314 : i32
      %sign3A_316 = arith.extui %sign3A_315 : i1 to i32
      %sign3A_317 = arith.subi %sign3A_313, %sign3A_316 : i32
      %sign3A_318 = arith.constant 0 : i32
      %sign3A_319 = arith.cmpi sgt, %jit3A_309, %sign3A_318 : i32
      %sign3A_320 = arith.extui %sign3A_319 : i1 to i32
      %sign3A_321 = arith.constant 0 : i32
      %sign3A_322 = arith.cmpi slt, %jit3A_309, %sign3A_321 : i32
      %sign3A_323 = arith.extui %sign3A_322 : i1 to i32
      %sign3A_324 = arith.subi %sign3A_320, %sign3A_323 : i32
      %ne3A_325 = arith.cmpi ne, %sign3A_317, %sign3A_324 : i32
      %rem3A_326 = arith.remsi %add3A_53, %jit3A_309 : i32
      %ne3A_327 = arith.constant 0 : i32
      %ne3A_328 = arith.cmpi ne, %rem3A_326, %ne3A_327 : i32
      %and3A_329 = arith.andi %ne3A_325, %ne3A_328 : i1
      %sub3A_330 = arith.constant 1 : i32
      %sub3A_331 = arith.subi %div3A_310, %sub3A_330 : i32
      %select_n3A_332 = arith.select %and3A_329, %sub3A_331, %div3A_310 : i32
      %jit3A_333 = arith.constant 8 : i32
      %eq3A_334 = arith.constant 0 : i32
      %eq3A_335 = arith.cmpi eq, %jit3A_333, %eq3A_334 : i32
      %jit3A_336 = arith.constant 1 : i32
      %select_n3A_337 = arith.select %eq3A_335, %jit3A_336, %jit3A_333 : i32
      %rem3A_338 = arith.remsi %add3A_53, %select_n3A_337 : i32
      %ne3A_339 = arith.constant 0 : i32
      %ne3A_340 = arith.cmpi ne, %rem3A_338, %ne3A_339 : i32
      %lt3A_341 = arith.constant 0 : i32
      %lt3A_342 = arith.cmpi slt, %rem3A_338, %lt3A_341 : i32
      %lt3A_343 = arith.constant 0 : i32
      %lt3A_344 = arith.cmpi slt, %select_n3A_337, %lt3A_343 : i32
      %ne3A_345 = arith.xori %lt3A_342, %lt3A_344 : i1
      %and3A_346 = arith.andi %ne3A_345, %ne3A_340 : i1
      %add3A_347 = arith.addi %rem3A_338, %select_n3A_337 : i32
      %select_n3A_348 = arith.select %and3A_346, %add3A_347, %rem3A_338 : i32
      %get3A_349 = arith.index_cast %select_n3A_332 : i32 to index
      %get3A_350 = arith.index_cast %select_n3A_348 : i32 to index
      %get3A_351 = arith.constant 96 : index
      %get3A_352 = tpu.vector_load %arg5[%get3A_349, %get3A_350, %get3A_351] {strides = array<i32>} : memref<25x8x128xi32, #tpu.memory_space<vmem>>, vector<16xi32>,
      %jit3A_353 = arith.constant 8 : i32
      %div3A_354 = arith.divsi %add3A_53, %jit3A_353 : i32
      %sign3A_355 = arith.constant 0 : i32
      %sign3A_356 = arith.cmpi sgt, %add3A_53, %sign3A_355 : i32
      %sign3A_357 = arith.extui %sign3A_356 : i1 to i32
      %sign3A_358 = arith.constant 0 : i32
      %sign3A_359 = arith.cmpi slt, %add3A_53, %sign3A_358 : i32
      %sign3A_360 = arith.extui %sign3A_359 : i1 to i32
      %sign3A_361 = arith.subi %sign3A_357, %sign3A_360 : i32
      %sign3A_362 = arith.constant 0 : i32
      %sign3A_363 = arith.cmpi sgt, %jit3A_353, %sign3A_362 : i32
      %sign3A_364 = arith.extui %sign3A_363 : i1 to i32
      %sign3A_365 = arith.constant 0 : i32
      %sign3A_366 = arith.cmpi slt, %jit3A_353, %sign3A_365 : i32
      %sign3A_367 = arith.extui %sign3A_366 : i1 to i32
      %sign3A_368 = arith.subi %sign3A_364, %sign3A_367 : i32
      %ne3A_369 = arith.cmpi ne, %sign3A_361, %sign3A_368 : i32
      %rem3A_370 = arith.remsi %add3A_53, %jit3A_353 : i32
      %ne3A_371 = arith.constant 0 : i32
      %ne3A_372 = arith.cmpi ne, %rem3A_370, %ne3A_371 : i32
      %and3A_373 = arith.andi %ne3A_369, %ne3A_372 : i1
      %sub3A_374 = arith.constant 1 : i32
      %sub3A_375 = arith.subi %div3A_354, %sub3A_374 : i32
      %select_n3A_376 = arith.select %and3A_373, %sub3A_375, %div3A_354 : i32
      %jit3A_377 = arith.constant 8 : i32
      %eq3A_378 = arith.constant 0 : i32
      %eq3A_379 = arith.cmpi eq, %jit3A_377, %eq3A_378 : i32
      %jit3A_380 = arith.constant 1 : i32
      %select_n3A_381 = arith.select %eq3A_379, %jit3A_380, %jit3A_377 : i32
      %rem3A_382 = arith.remsi %add3A_53, %select_n3A_381 : i32
      %ne3A_383 = arith.constant 0 : i32
      %ne3A_384 = arith.cmpi ne, %rem3A_382, %ne3A_383 : i32
      %lt3A_385 = arith.constant 0 : i32
      %lt3A_386 = arith.cmpi slt, %rem3A_382, %lt3A_385 : i32
      %lt3A_387 = arith.constant 0 : i32
      %lt3A_388 = arith.cmpi slt, %select_n3A_381, %lt3A_387 : i32
      %ne3A_389 = arith.xori %lt3A_386, %lt3A_388 : i1
      %and3A_390 = arith.andi %ne3A_389, %ne3A_384 : i1
      %add3A_391 = arith.addi %rem3A_382, %select_n3A_381 : i32
      %select_n3A_392 = arith.select %and3A_390, %add3A_391, %rem3A_382 : i32
      %get3A_393 = arith.index_cast %select_n3A_376 : i32 to index
      %get3A_394 = arith.index_cast %select_n3A_392 : i32 to index
      %get3A_395 = arith.constant 112 : index
      %get3A_396 = tpu.vector_load %arg5[%get3A_393, %get3A_394, %get3A_395] {strides = array<i32>} : memref<25x8x128xi32, #tpu.memory_space<vmem>>, vector<16xi32>,
      %parallel_loop3A = arith.constant 0 : i32
      %parallel_loop3A_397 = arith.constant 64 : i32
      %parallel_loop3A_398 = arith.constant 1 : i32
      scf.for %parallel_loop3A_804 = %parallel_loop3A to %parallel_loop3A_397 step %parallel_loop3A_398  : i32 {
        %parallel_loop3A_805 = arith.constant 0 : i32
        %parallel_loop3A_806 = vector.broadcast %parallel_loop3A_805 : i32 to vector<16xi32>
        %parallel_loop3A_807 = vector.broadcast %parallel_loop3A_804 : i32 to vector<16xi32>
        %parallel_loop3A_808 = arith.addi %parallel_loop3A_806, %parallel_loop3A_807 : vector<16xi32>
        %parallel_loop3A_809 = tpu.vector_load_idx %arg6[%get3A_88, %parallel_loop3A_808] : memref<1000x65xf32, #tpu.memory_space<vmem>>[vector<16xi32>, vector<16xi32>], vector<16xf32>,
        %parallel_loop3A_810 = arith.constant 8 : i32
        %parallel_loop3A_811 = arith.divsi %parallel_loop3A_804, %parallel_loop3A_810 : i32
        %parallel_loop3A_812 = arith.constant 0 : i32
        %parallel_loop3A_813 = arith.cmpi sgt, %parallel_loop3A_804, %parallel_loop3A_812 : i32
        %parallel_loop3A_814 = arith.extui %parallel_loop3A_813 : i1 to i32
        %parallel_loop3A_815 = arith.constant 0 : i32
        %parallel_loop3A_816 = arith.cmpi slt, %parallel_loop3A_804, %parallel_loop3A_815 : i32
        %parallel_loop3A_817 = arith.extui %parallel_loop3A_816 : i1 to i32
        %parallel_loop3A_818 = arith.subi %parallel_loop3A_814, %parallel_loop3A_817 : i32
        %parallel_loop3A_819 = arith.constant 0 : i32
        %parallel_loop3A_820 = arith.cmpi sgt, %parallel_loop3A_810, %parallel_loop3A_819 : i32
        %parallel_loop3A_821 = arith.extui %parallel_loop3A_820 : i1 to i32
        %parallel_loop3A_822 = arith.constant 0 : i32
        %parallel_loop3A_823 = arith.cmpi slt, %parallel_loop3A_810, %parallel_loop3A_822 : i32
        %parallel_loop3A_824 = arith.extui %parallel_loop3A_823 : i1 to i32
        %parallel_loop3A_825 = arith.subi %parallel_loop3A_821, %parallel_loop3A_824 : i32
        %parallel_loop3A_826 = arith.cmpi ne, %parallel_loop3A_818, %parallel_loop3A_825 : i32
        %parallel_loop3A_827 = arith.remsi %parallel_loop3A_804, %parallel_loop3A_810 : i32
        %parallel_loop3A_828 = arith.constant 0 : i32
        %parallel_loop3A_829 = arith.cmpi ne, %parallel_loop3A_827, %parallel_loop3A_828 : i32
        %parallel_loop3A_830 = arith.andi %parallel_loop3A_826, %parallel_loop3A_829 : i1
        %parallel_loop3A_831 = arith.constant 1 : i32
        %parallel_loop3A_832 = arith.subi %parallel_loop3A_811, %parallel_loop3A_831 : i32
        %parallel_loop3A_833 = arith.select %parallel_loop3A_830, %parallel_loop3A_832, %parallel_loop3A_811 : i32
        %parallel_loop3A_834 = arith.constant 8 : i32
        %parallel_loop3A_835 = arith.constant 0 : i32
        %parallel_loop3A_836 = arith.cmpi eq, %parallel_loop3A_834, %parallel_loop3A_835 : i32
        %parallel_loop3A_837 = arith.constant 1 : i32
        %parallel_loop3A_838 = arith.select %parallel_loop3A_836, %parallel_loop3A_837, %parallel_loop3A_834 : i32
        %parallel_loop3A_839 = arith.remsi %parallel_loop3A_804, %parallel_loop3A_838 : i32
        %parallel_loop3A_840 = arith.constant 0 : i32
        %parallel_loop3A_841 = arith.cmpi ne, %parallel_loop3A_839, %parallel_loop3A_840 : i32
        %parallel_loop3A_842 = arith.constant 0 : i32
        %parallel_loop3A_843 = arith.cmpi slt, %parallel_loop3A_839, %parallel_loop3A_842 : i32
        %parallel_loop3A_844 = arith.constant 0 : i32
        %parallel_loop3A_845 = arith.cmpi slt, %parallel_loop3A_838, %parallel_loop3A_844 : i32
        %parallel_loop3A_846 = arith.xori %parallel_loop3A_843, %parallel_loop3A_845 : i1
        %parallel_loop3A_847 = arith.andi %parallel_loop3A_846, %parallel_loop3A_841 : i1
        %parallel_loop3A_848 = arith.addi %parallel_loop3A_839, %parallel_loop3A_838 : i32
        %parallel_loop3A_849 = arith.select %parallel_loop3A_847, %parallel_loop3A_848, %parallel_loop3A_839 : i32
        %parallel_loop3A_850 = arith.constant 0 : i32
        %parallel_loop3A_851 = arith.index_cast %parallel_loop3A_850 : i32 to index
        %parallel_loop3A_852 = arith.index_cast %parallel_loop3A_833 : i32 to index
        %parallel_loop3A_853 = arith.index_cast %parallel_loop3A_849 : i32 to index
        %parallel_loop3A_854 = arith.constant 0 : index
        %parallel_loop3A_855 = tpu.vector_load %arg7[%parallel_loop3A_851, %parallel_loop3A_852, %parallel_loop3A_853, %parallel_loop3A_854] {strides = array<i32>} : memref<2x8x8x128xf32, #tpu.memory_space<vmem>>, vector<16xf32>,
        tpu.vector_store %arg7[%parallel_loop3A_851, %parallel_loop3A_852, %parallel_loop3A_853, %parallel_loop3A_854], %parallel_loop3A_809 {strides = array<i32>} : memref<2x8x8x128xf32, #tpu.memory_space<vmem>>, vector<16xf32>,
        %parallel_loop3A_856 = tpu.vector_load_idx %arg6[%get3A_132, %parallel_loop3A_808] : memref<1000x65xf32, #tpu.memory_space<vmem>>[vector<16xi32>, vector<16xi32>], vector<16xf32>,
        %parallel_loop3A_857 = arith.constant 8 : i32
        %parallel_loop3A_858 = arith.divsi %parallel_loop3A_804, %parallel_loop3A_857 : i32
        %parallel_loop3A_859 = arith.constant 0 : i32
        %parallel_loop3A_860 = arith.cmpi sgt, %parallel_loop3A_804, %parallel_loop3A_859 : i32
        %parallel_loop3A_861 = arith.extui %parallel_loop3A_860 : i1 to i32
        %parallel_loop3A_862 = arith.constant 0 : i32
        %parallel_loop3A_863 = arith.cmpi slt, %parallel_loop3A_804, %parallel_loop3A_862 : i32
        %parallel_loop3A_864 = arith.extui %parallel_loop3A_863 : i1 to i32
        %parallel_loop3A_865 = arith.subi %parallel_loop3A_861, %parallel_loop3A_864 : i32
        %parallel_loop3A_866 = arith.constant 0 : i32
        %parallel_loop3A_867 = arith.cmpi sgt, %parallel_loop3A_857, %parallel_loop3A_866 : i32
        %parallel_loop3A_868 = arith.extui %parallel_loop3A_867 : i1 to i32
        %parallel_loop3A_869 = arith.constant 0 : i32
        %parallel_loop3A_870 = arith.cmpi slt, %parallel_loop3A_857, %parallel_loop3A_869 : i32
        %parallel_loop3A_871 = arith.extui %parallel_loop3A_870 : i1 to i32
        %parallel_loop3A_872 = arith.subi %parallel_loop3A_868, %parallel_loop3A_871 : i32
        %parallel_loop3A_873 = arith.cmpi ne, %parallel_loop3A_865, %parallel_loop3A_872 : i32
        %parallel_loop3A_874 = arith.remsi %parallel_loop3A_804, %parallel_loop3A_857 : i32
        %parallel_loop3A_875 = arith.constant 0 : i32
        %parallel_loop3A_876 = arith.cmpi ne, %parallel_loop3A_874, %parallel_loop3A_875 : i32
        %parallel_loop3A_877 = arith.andi %parallel_loop3A_873, %parallel_loop3A_876 : i1
        %parallel_loop3A_878 = arith.constant 1 : i32
        %parallel_loop3A_879 = arith.subi %parallel_loop3A_858, %parallel_loop3A_878 : i32
        %parallel_loop3A_880 = arith.select %parallel_loop3A_877, %parallel_loop3A_879, %parallel_loop3A_858 : i32
        %parallel_loop3A_881 = arith.constant 8 : i32
        %parallel_loop3A_882 = arith.constant 0 : i32
        %parallel_loop3A_883 = arith.cmpi eq, %parallel_loop3A_881, %parallel_loop3A_882 : i32
        %parallel_loop3A_884 = arith.constant 1 : i32
        %parallel_loop3A_885 = arith.select %parallel_loop3A_883, %parallel_loop3A_884, %parallel_loop3A_881 : i32
        %parallel_loop3A_886 = arith.remsi %parallel_loop3A_804, %parallel_loop3A_885 : i32
        %parallel_loop3A_887 = arith.constant 0 : i32
        %parallel_loop3A_888 = arith.cmpi ne, %parallel_loop3A_886, %parallel_loop3A_887 : i32
        %parallel_loop3A_889 = arith.constant 0 : i32
        %parallel_loop3A_890 = arith.cmpi slt, %parallel_loop3A_886, %parallel_loop3A_889 : i32
        %parallel_loop3A_891 = arith.constant 0 : i32
        %parallel_loop3A_892 = arith.cmpi slt, %parallel_loop3A_885, %parallel_loop3A_891 : i32
        %parallel_loop3A_893 = arith.xori %parallel_loop3A_890, %parallel_loop3A_892 : i1
        %parallel_loop3A_894 = arith.andi %parallel_loop3A_893, %parallel_loop3A_888 : i1
        %parallel_loop3A_895 = arith.addi %parallel_loop3A_886, %parallel_loop3A_885 : i32
        %parallel_loop3A_896 = arith.select %parallel_loop3A_894, %parallel_loop3A_895, %parallel_loop3A_886 : i32
        %parallel_loop3A_897 = arith.constant 0 : i32
        %parallel_loop3A_898 = arith.index_cast %parallel_loop3A_897 : i32 to index
        %parallel_loop3A_899 = arith.index_cast %parallel_loop3A_880 : i32 to index
        %parallel_loop3A_900 = arith.index_cast %parallel_loop3A_896 : i32 to index
        %parallel_loop3A_901 = arith.constant 16 : index
        %parallel_loop3A_902 = tpu.vector_load %arg7[%parallel_loop3A_898, %parallel_loop3A_899, %parallel_loop3A_900, %parallel_loop3A_901] {strides = array<i32>} : memref<2x8x8x128xf32, #tpu.memory_space<vmem>>, vector<16xf32>,
        tpu.vector_store %arg7[%parallel_loop3A_898, %parallel_loop3A_899, %parallel_loop3A_900, %parallel_loop3A_901], %parallel_loop3A_856 {strides = array<i32>} : memref<2x8x8x128xf32, #tpu.memory_space<vmem>>, vector<16xf32>,
        %parallel_loop3A_903 = tpu.vector_load_idx %arg6[%get3A_176, %parallel_loop3A_808] : memref<1000x65xf32, #tpu.memory_space<vmem>>[vector<16xi32>, vector<16xi32>], vector<16xf32>,
        %parallel_loop3A_904 = arith.constant 8 : i32
        %parallel_loop3A_905 = arith.divsi %parallel_loop3A_804, %parallel_loop3A_904 : i32
        %parallel_loop3A_906 = arith.constant 0 : i32
        %parallel_loop3A_907 = arith.cmpi sgt, %parallel_loop3A_804, %parallel_loop3A_906 : i32
        %parallel_loop3A_908 = arith.extui %parallel_loop3A_907 : i1 to i32
        %parallel_loop3A_909 = arith.constant 0 : i32
        %parallel_loop3A_910 = arith.cmpi slt, %parallel_loop3A_804, %parallel_loop3A_909 : i32
        %parallel_loop3A_911 = arith.extui %parallel_loop3A_910 : i1 to i32
        %parallel_loop3A_912 = arith.subi %parallel_loop3A_908, %parallel_loop3A_911 : i32
        %parallel_loop3A_913 = arith.constant 0 : i32
        %parallel_loop3A_914 = arith.cmpi sgt, %parallel_loop3A_904, %parallel_loop3A_913 : i32
        %parallel_loop3A_915 = arith.extui %parallel_loop3A_914 : i1 to i32
        %parallel_loop3A_916 = arith.constant 0 : i32
        %parallel_loop3A_917 = arith.cmpi slt, %parallel_loop3A_904, %parallel_loop3A_916 : i32
        %parallel_loop3A_918 = arith.extui %parallel_loop3A_917 : i1 to i32
        %parallel_loop3A_919 = arith.subi %parallel_loop3A_915, %parallel_loop3A_918 : i32
        %parallel_loop3A_920 = arith.cmpi ne, %parallel_loop3A_912, %parallel_loop3A_919 : i32
        %parallel_loop3A_921 = arith.remsi %parallel_loop3A_804, %parallel_loop3A_904 : i32
        %parallel_loop3A_922 = arith.constant 0 : i32
        %parallel_loop3A_923 = arith.cmpi ne, %parallel_loop3A_921, %parallel_loop3A_922 : i32
        %parallel_loop3A_924 = arith.andi %parallel_loop3A_920, %parallel_loop3A_923 : i1
        %parallel_loop3A_925 = arith.constant 1 : i32
        %parallel_loop3A_926 = arith.subi %parallel_loop3A_905, %parallel_loop3A_925 : i32
        %parallel_loop3A_927 = arith.select %parallel_loop3A_924, %parallel_loop3A_926, %parallel_loop3A_905 : i32
        %parallel_loop3A_928 = arith.constant 8 : i32
        %parallel_loop3A_929 = arith.constant 0 : i32
        %parallel_loop3A_930 = arith.cmpi eq, %parallel_loop3A_928, %parallel_loop3A_929 : i32
        %parallel_loop3A_931 = arith.constant 1 : i32
        %parallel_loop3A_932 = arith.select %parallel_loop3A_930, %parallel_loop3A_931, %parallel_loop3A_928 : i32
        %parallel_loop3A_933 = arith.remsi %parallel_loop3A_804, %parallel_loop3A_932 : i32
        %parallel_loop3A_934 = arith.constant 0 : i32
        %parallel_loop3A_935 = arith.cmpi ne, %parallel_loop3A_933, %parallel_loop3A_934 : i32
        %parallel_loop3A_936 = arith.constant 0 : i32
        %parallel_loop3A_937 = arith.cmpi slt, %parallel_loop3A_933, %parallel_loop3A_936 : i32
        %parallel_loop3A_938 = arith.constant 0 : i32
        %parallel_loop3A_939 = arith.cmpi slt, %parallel_loop3A_932, %parallel_loop3A_938 : i32
        %parallel_loop3A_940 = arith.xori %parallel_loop3A_937, %parallel_loop3A_939 : i1
        %parallel_loop3A_941 = arith.andi %parallel_loop3A_940, %parallel_loop3A_935 : i1
        %parallel_loop3A_942 = arith.addi %parallel_loop3A_933, %parallel_loop3A_932 : i32
        %parallel_loop3A_943 = arith.select %parallel_loop3A_941, %parallel_loop3A_942, %parallel_loop3A_933 : i32
        %parallel_loop3A_944 = arith.constant 0 : i32
        %parallel_loop3A_945 = arith.index_cast %parallel_loop3A_944 : i32 to index
        %parallel_loop3A_946 = arith.index_cast %parallel_loop3A_927 : i32 to index
        %parallel_loop3A_947 = arith.index_cast %parallel_loop3A_943 : i32 to index
        %parallel_loop3A_948 = arith.constant 32 : index
        %parallel_loop3A_949 = tpu.vector_load %arg7[%parallel_loop3A_945, %parallel_loop3A_946, %parallel_loop3A_947, %parallel_loop3A_948] {strides = array<i32>} : memref<2x8x8x128xf32, #tpu.memory_space<vmem>>, vector<16xf32>,
        tpu.vector_store %arg7[%parallel_loop3A_945, %parallel_loop3A_946, %parallel_loop3A_947, %parallel_loop3A_948], %parallel_loop3A_903 {strides = array<i32>} : memref<2x8x8x128xf32, #tpu.memory_space<vmem>>, vector<16xf32>,
        %parallel_loop3A_950 = tpu.vector_load_idx %arg6[%get3A_220, %parallel_loop3A_808] : memref<1000x65xf32, #tpu.memory_space<vmem>>[vector<16xi32>, vector<16xi32>], vector<16xf32>,
        %parallel_loop3A_951 = arith.constant 8 : i32
        %parallel_loop3A_952 = arith.divsi %parallel_loop3A_804, %parallel_loop3A_951 : i32
        %parallel_loop3A_953 = arith.constant 0 : i32
        %parallel_loop3A_954 = arith.cmpi sgt, %parallel_loop3A_804, %parallel_loop3A_953 : i32
        %parallel_loop3A_955 = arith.extui %parallel_loop3A_954 : i1 to i32
        %parallel_loop3A_956 = arith.constant 0 : i32
        %parallel_loop3A_957 = arith.cmpi slt, %parallel_loop3A_804, %parallel_loop3A_956 : i32
        %parallel_loop3A_958 = arith.extui %parallel_loop3A_957 : i1 to i32
        %parallel_loop3A_959 = arith.subi %parallel_loop3A_955, %parallel_loop3A_958 : i32
        %parallel_loop3A_960 = arith.constant 0 : i32
        %parallel_loop3A_961 = arith.cmpi sgt, %parallel_loop3A_951, %parallel_loop3A_960 : i32
        %parallel_loop3A_962 = arith.extui %parallel_loop3A_961 : i1 to i32
        %parallel_loop3A_963 = arith.constant 0 : i32
        %parallel_loop3A_964 = arith.cmpi slt, %parallel_loop3A_951, %parallel_loop3A_963 : i32
        %parallel_loop3A_965 = arith.extui %parallel_loop3A_964 : i1 to i32
        %parallel_loop3A_966 = arith.subi %parallel_loop3A_962, %parallel_loop3A_965 : i32
        %parallel_loop3A_967 = arith.cmpi ne, %parallel_loop3A_959, %parallel_loop3A_966 : i32
        %parallel_loop3A_968 = arith.remsi %parallel_loop3A_804, %parallel_loop3A_951 : i32
        %parallel_loop3A_969 = arith.constant 0 : i32
        %parallel_loop3A_970 = arith.cmpi ne, %parallel_loop3A_968, %parallel_loop3A_969 : i32
        %parallel_loop3A_971 = arith.andi %parallel_loop3A_967, %parallel_loop3A_970 : i1
        %parallel_loop3A_972 = arith.constant 1 : i32
        %parallel_loop3A_973 = arith.subi %parallel_loop3A_952, %parallel_loop3A_972 : i32
        %parallel_loop3A_974 = arith.select %parallel_loop3A_971, %parallel_loop3A_973, %parallel_loop3A_952 : i32
        %parallel_loop3A_975 = arith.constant 8 : i32
        %parallel_loop3A_976 = arith.constant 0 : i32
        %parallel_loop3A_977 = arith.cmpi eq, %parallel_loop3A_975, %parallel_loop3A_976 : i32
        %parallel_loop3A_978 = arith.constant 1 : i32
        %parallel_loop3A_979 = arith.select %parallel_loop3A_977, %parallel_loop3A_978, %parallel_loop3A_975 : i32
        %parallel_loop3A_980 = arith.remsi %parallel_loop3A_804, %parallel_loop3A_979 : i32
        %parallel_loop3A_981 = arith.constant 0 : i32
        %parallel_loop3A_982 = arith.cmpi ne, %parallel_loop3A_980, %parallel_loop3A_981 : i32
        %parallel_loop3A_983 = arith.constant 0 : i32
        %parallel_loop3A_984 = arith.cmpi slt, %parallel_loop3A_980, %parallel_loop3A_983 : i32
        %parallel_loop3A_985 = arith.constant 0 : i32
        %parallel_loop3A_986 = arith.cmpi slt, %parallel_loop3A_979, %parallel_loop3A_985 : i32
        %parallel_loop3A_987 = arith.xori %parallel_loop3A_984, %parallel_loop3A_986 : i1
        %parallel_loop3A_988 = arith.andi %parallel_loop3A_987, %parallel_loop3A_982 : i1
        %parallel_loop3A_989 = arith.addi %parallel_loop3A_980, %parallel_loop3A_979 : i32
        %parallel_loop3A_990 = arith.select %parallel_loop3A_988, %parallel_loop3A_989, %parallel_loop3A_980 : i32
        %parallel_loop3A_991 = arith.constant 0 : i32
        %parallel_loop3A_992 = arith.index_cast %parallel_loop3A_991 : i32 to index
        %parallel_loop3A_993 = arith.index_cast %parallel_loop3A_974 : i32 to index
        %parallel_loop3A_994 = arith.index_cast %parallel_loop3A_990 : i32 to index
        %parallel_loop3A_995 = arith.constant 48 : index
        %parallel_loop3A_996 = tpu.vector_load %arg7[%parallel_loop3A_992, %parallel_loop3A_993, %parallel_loop3A_994, %parallel_loop3A_995] {strides = array<i32>} : memref<2x8x8x128xf32, #tpu.memory_space<vmem>>, vector<16xf32>,
        tpu.vector_store %arg7[%parallel_loop3A_992, %parallel_loop3A_993, %parallel_loop3A_994, %parallel_loop3A_995], %parallel_loop3A_950 {strides = array<i32>} : memref<2x8x8x128xf32, #tpu.memory_space<vmem>>, vector<16xf32>,
        %parallel_loop3A_997 = tpu.vector_load_idx %arg6[%get3A_264, %parallel_loop3A_808] : memref<1000x65xf32, #tpu.memory_space<vmem>>[vector<16xi32>, vector<16xi32>], vector<16xf32>,
        %parallel_loop3A_998 = arith.constant 8 : i32
        %parallel_loop3A_999 = arith.divsi %parallel_loop3A_804, %parallel_loop3A_998 : i32
        %parallel_loop3A_1000 = arith.constant 0 : i32
        %parallel_loop3A_1001 = arith.cmpi sgt, %parallel_loop3A_804, %parallel_loop3A_1000 : i32
        %parallel_loop3A_1002 = arith.extui %parallel_loop3A_1001 : i1 to i32
        %parallel_loop3A_1003 = arith.constant 0 : i32
        %parallel_loop3A_1004 = arith.cmpi slt, %parallel_loop3A_804, %parallel_loop3A_1003 : i32
        %parallel_loop3A_1005 = arith.extui %parallel_loop3A_1004 : i1 to i32
        %parallel_loop3A_1006 = arith.subi %parallel_loop3A_1002, %parallel_loop3A_1005 : i32
        %parallel_loop3A_1007 = arith.constant 0 : i32
        %parallel_loop3A_1008 = arith.cmpi sgt, %parallel_loop3A_998, %parallel_loop3A_1007 : i32
        %parallel_loop3A_1009 = arith.extui %parallel_loop3A_1008 : i1 to i32
        %parallel_loop3A_1010 = arith.constant 0 : i32
        %parallel_loop3A_1011 = arith.cmpi slt, %parallel_loop3A_998, %parallel_loop3A_1010 : i32
        %parallel_loop3A_1012 = arith.extui %parallel_loop3A_1011 : i1 to i32
        %parallel_loop3A_1013 = arith.subi %parallel_loop3A_1009, %parallel_loop3A_1012 : i32
        %parallel_loop3A_1014 = arith.cmpi ne, %parallel_loop3A_1006, %parallel_loop3A_1013 : i32
        %parallel_loop3A_1015 = arith.remsi %parallel_loop3A_804, %parallel_loop3A_998 : i32
        %parallel_loop3A_1016 = arith.constant 0 : i32
        %parallel_loop3A_1017 = arith.cmpi ne, %parallel_loop3A_1015, %parallel_loop3A_1016 : i32
        %parallel_loop3A_1018 = arith.andi %parallel_loop3A_1014, %parallel_loop3A_1017 : i1
        %parallel_loop3A_1019 = arith.constant 1 : i32
        %parallel_loop3A_1020 = arith.subi %parallel_loop3A_999, %parallel_loop3A_1019 : i32
        %parallel_loop3A_1021 = arith.select %parallel_loop3A_1018, %parallel_loop3A_1020, %parallel_loop3A_999 : i32
        %parallel_loop3A_1022 = arith.constant 8 : i32
        %parallel_loop3A_1023 = arith.constant 0 : i32
        %parallel_loop3A_1024 = arith.cmpi eq, %parallel_loop3A_1022, %parallel_loop3A_1023 : i32
        %parallel_loop3A_1025 = arith.constant 1 : i32
        %parallel_loop3A_1026 = arith.select %parallel_loop3A_1024, %parallel_loop3A_1025, %parallel_loop3A_1022 : i32
        %parallel_loop3A_1027 = arith.remsi %parallel_loop3A_804, %parallel_loop3A_1026 : i32
        %parallel_loop3A_1028 = arith.constant 0 : i32
        %parallel_loop3A_1029 = arith.cmpi ne, %parallel_loop3A_1027, %parallel_loop3A_1028 : i32
        %parallel_loop3A_1030 = arith.constant 0 : i32
        %parallel_loop3A_1031 = arith.cmpi slt, %parallel_loop3A_1027, %parallel_loop3A_1030 : i32
        %parallel_loop3A_1032 = arith.constant 0 : i32
        %parallel_loop3A_1033 = arith.cmpi slt, %parallel_loop3A_1026, %parallel_loop3A_1032 : i32
        %parallel_loop3A_1034 = arith.xori %parallel_loop3A_1031, %parallel_loop3A_1033 : i1
        %parallel_loop3A_1035 = arith.andi %parallel_loop3A_1034, %parallel_loop3A_1029 : i1
        %parallel_loop3A_1036 = arith.addi %parallel_loop3A_1027, %parallel_loop3A_1026 : i32
        %parallel_loop3A_1037 = arith.select %parallel_loop3A_1035, %parallel_loop3A_1036, %parallel_loop3A_1027 : i32
        %parallel_loop3A_1038 = arith.constant 0 : i32
        %parallel_loop3A_1039 = arith.index_cast %parallel_loop3A_1038 : i32 to index
        %parallel_loop3A_1040 = arith.index_cast %parallel_loop3A_1021 : i32 to index
        %parallel_loop3A_1041 = arith.index_cast %parallel_loop3A_1037 : i32 to index
        %parallel_loop3A_1042 = arith.constant 64 : index
        %parallel_loop3A_1043 = tpu.vector_load %arg7[%parallel_loop3A_1039, %parallel_loop3A_1040, %parallel_loop3A_1041, %parallel_loop3A_1042] {strides = array<i32>} : memref<2x8x8x128xf32, #tpu.memory_space<vmem>>, vector<16xf32>,
        tpu.vector_store %arg7[%parallel_loop3A_1039, %parallel_loop3A_1040, %parallel_loop3A_1041, %parallel_loop3A_1042], %parallel_loop3A_997 {strides = array<i32>} : memref<2x8x8x128xf32, #tpu.memory_space<vmem>>, vector<16xf32>,
        %parallel_loop3A_1044 = tpu.vector_load_idx %arg6[%get3A_308, %parallel_loop3A_808] : memref<1000x65xf32, #tpu.memory_space<vmem>>[vector<16xi32>, vector<16xi32>], vector<16xf32>,
        %parallel_loop3A_1045 = arith.constant 8 : i32
        %parallel_loop3A_1046 = arith.divsi %parallel_loop3A_804, %parallel_loop3A_1045 : i32
        %parallel_loop3A_1047 = arith.constant 0 : i32
        %parallel_loop3A_1048 = arith.cmpi sgt, %parallel_loop3A_804, %parallel_loop3A_1047 : i32
        %parallel_loop3A_1049 = arith.extui %parallel_loop3A_1048 : i1 to i32
        %parallel_loop3A_1050 = arith.constant 0 : i32
        %parallel_loop3A_1051 = arith.cmpi slt, %parallel_loop3A_804, %parallel_loop3A_1050 : i32
        %parallel_loop3A_1052 = arith.extui %parallel_loop3A_1051 : i1 to i32
        %parallel_loop3A_1053 = arith.subi %parallel_loop3A_1049, %parallel_loop3A_1052 : i32
        %parallel_loop3A_1054 = arith.constant 0 : i32
        %parallel_loop3A_1055 = arith.cmpi sgt, %parallel_loop3A_1045, %parallel_loop3A_1054 : i32
        %parallel_loop3A_1056 = arith.extui %parallel_loop3A_1055 : i1 to i32
        %parallel_loop3A_1057 = arith.constant 0 : i32
        %parallel_loop3A_1058 = arith.cmpi slt, %parallel_loop3A_1045, %parallel_loop3A_1057 : i32
        %parallel_loop3A_1059 = arith.extui %parallel_loop3A_1058 : i1 to i32
        %parallel_loop3A_1060 = arith.subi %parallel_loop3A_1056, %parallel_loop3A_1059 : i32
        %parallel_loop3A_1061 = arith.cmpi ne, %parallel_loop3A_1053, %parallel_loop3A_1060 : i32
        %parallel_loop3A_1062 = arith.remsi %parallel_loop3A_804, %parallel_loop3A_1045 : i32
        %parallel_loop3A_1063 = arith.constant 0 : i32
        %parallel_loop3A_1064 = arith.cmpi ne, %parallel_loop3A_1062, %parallel_loop3A_1063 : i32
        %parallel_loop3A_1065 = arith.andi %parallel_loop3A_1061, %parallel_loop3A_1064 : i1
        %parallel_loop3A_1066 = arith.constant 1 : i32
        %parallel_loop3A_1067 = arith.subi %parallel_loop3A_1046, %parallel_loop3A_1066 : i32
        %parallel_loop3A_1068 = arith.select %parallel_loop3A_1065, %parallel_loop3A_1067, %parallel_loop3A_1046 : i32
        %parallel_loop3A_1069 = arith.constant 8 : i32
        %parallel_loop3A_1070 = arith.constant 0 : i32
        %parallel_loop3A_1071 = arith.cmpi eq, %parallel_loop3A_1069, %parallel_loop3A_1070 : i32
        %parallel_loop3A_1072 = arith.constant 1 : i32
        %parallel_loop3A_1073 = arith.select %parallel_loop3A_1071, %parallel_loop3A_1072, %parallel_loop3A_1069 : i32
        %parallel_loop3A_1074 = arith.remsi %parallel_loop3A_804, %parallel_loop3A_1073 : i32
        %parallel_loop3A_1075 = arith.constant 0 : i32
        %parallel_loop3A_1076 = arith.cmpi ne, %parallel_loop3A_1074, %parallel_loop3A_1075 : i32
        %parallel_loop3A_1077 = arith.constant 0 : i32
        %parallel_loop3A_1078 = arith.cmpi slt, %parallel_loop3A_1074, %parallel_loop3A_1077 : i32
        %parallel_loop3A_1079 = arith.constant 0 : i32
        %parallel_loop3A_1080 = arith.cmpi slt, %parallel_loop3A_1073, %parallel_loop3A_1079 : i32
        %parallel_loop3A_1081 = arith.xori %parallel_loop3A_1078, %parallel_loop3A_1080 : i1
        %parallel_loop3A_1082 = arith.andi %parallel_loop3A_1081, %parallel_loop3A_1076 : i1
        %parallel_loop3A_1083 = arith.addi %parallel_loop3A_1074, %parallel_loop3A_1073 : i32
        %parallel_loop3A_1084 = arith.select %parallel_loop3A_1082, %parallel_loop3A_1083, %parallel_loop3A_1074 : i32
        %parallel_loop3A_1085 = arith.constant 0 : i32
        %parallel_loop3A_1086 = arith.index_cast %parallel_loop3A_1085 : i32 to index
        %parallel_loop3A_1087 = arith.index_cast %parallel_loop3A_1068 : i32 to index
        %parallel_loop3A_1088 = arith.index_cast %parallel_loop3A_1084 : i32 to index
        %parallel_loop3A_1089 = arith.constant 80 : index
        %parallel_loop3A_1090 = tpu.vector_load %arg7[%parallel_loop3A_1086, %parallel_loop3A_1087, %parallel_loop3A_1088, %parallel_loop3A_1089] {strides = array<i32>} : memref<2x8x8x128xf32, #tpu.memory_space<vmem>>, vector<16xf32>,
        tpu.vector_store %arg7[%parallel_loop3A_1086, %parallel_loop3A_1087, %parallel_loop3A_1088, %parallel_loop3A_1089], %parallel_loop3A_1044 {strides = array<i32>} : memref<2x8x8x128xf32, #tpu.memory_space<vmem>>, vector<16xf32>,
        %parallel_loop3A_1091 = tpu.vector_load_idx %arg6[%get3A_352, %parallel_loop3A_808] : memref<1000x65xf32, #tpu.memory_space<vmem>>[vector<16xi32>, vector<16xi32>], vector<16xf32>,
        %parallel_loop3A_1092 = arith.constant 8 : i32
        %parallel_loop3A_1093 = arith.divsi %parallel_loop3A_804, %parallel_loop3A_1092 : i32
        %parallel_loop3A_1094 = arith.constant 0 : i32
        %parallel_loop3A_1095 = arith.cmpi sgt, %parallel_loop3A_804, %parallel_loop3A_1094 : i32
        %parallel_loop3A_1096 = arith.extui %parallel_loop3A_1095 : i1 to i32
        %parallel_loop3A_1097 = arith.constant 0 : i32
        %parallel_loop3A_1098 = arith.cmpi slt, %parallel_loop3A_804, %parallel_loop3A_1097 : i32
        %parallel_loop3A_1099 = arith.extui %parallel_loop3A_1098 : i1 to i32
        %parallel_loop3A_1100 = arith.subi %parallel_loop3A_1096, %parallel_loop3A_1099 : i32
        %parallel_loop3A_1101 = arith.constant 0 : i32
        %parallel_loop3A_1102 = arith.cmpi sgt, %parallel_loop3A_1092, %parallel_loop3A_1101 : i32
        %parallel_loop3A_1103 = arith.extui %parallel_loop3A_1102 : i1 to i32
        %parallel_loop3A_1104 = arith.constant 0 : i32
        %parallel_loop3A_1105 = arith.cmpi slt, %parallel_loop3A_1092, %parallel_loop3A_1104 : i32
        %parallel_loop3A_1106 = arith.extui %parallel_loop3A_1105 : i1 to i32
        %parallel_loop3A_1107 = arith.subi %parallel_loop3A_1103, %parallel_loop3A_1106 : i32
        %parallel_loop3A_1108 = arith.cmpi ne, %parallel_loop3A_1100, %parallel_loop3A_1107 : i32
        %parallel_loop3A_1109 = arith.remsi %parallel_loop3A_804, %parallel_loop3A_1092 : i32
        %parallel_loop3A_1110 = arith.constant 0 : i32
        %parallel_loop3A_1111 = arith.cmpi ne, %parallel_loop3A_1109, %parallel_loop3A_1110 : i32
        %parallel_loop3A_1112 = arith.andi %parallel_loop3A_1108, %parallel_loop3A_1111 : i1
        %parallel_loop3A_1113 = arith.constant 1 : i32
        %parallel_loop3A_1114 = arith.subi %parallel_loop3A_1093, %parallel_loop3A_1113 : i32
        %parallel_loop3A_1115 = arith.select %parallel_loop3A_1112, %parallel_loop3A_1114, %parallel_loop3A_1093 : i32
        %parallel_loop3A_1116 = arith.constant 8 : i32
        %parallel_loop3A_1117 = arith.constant 0 : i32
        %parallel_loop3A_1118 = arith.cmpi eq, %parallel_loop3A_1116, %parallel_loop3A_1117 : i32
        %parallel_loop3A_1119 = arith.constant 1 : i32
        %parallel_loop3A_1120 = arith.select %parallel_loop3A_1118, %parallel_loop3A_1119, %parallel_loop3A_1116 : i32
        %parallel_loop3A_1121 = arith.remsi %parallel_loop3A_804, %parallel_loop3A_1120 : i32
        %parallel_loop3A_1122 = arith.constant 0 : i32
        %parallel_loop3A_1123 = arith.cmpi ne, %parallel_loop3A_1121, %parallel_loop3A_1122 : i32
        %parallel_loop3A_1124 = arith.constant 0 : i32
        %parallel_loop3A_1125 = arith.cmpi slt, %parallel_loop3A_1121, %parallel_loop3A_1124 : i32
        %parallel_loop3A_1126 = arith.constant 0 : i32
        %parallel_loop3A_1127 = arith.cmpi slt, %parallel_loop3A_1120, %parallel_loop3A_1126 : i32
        %parallel_loop3A_1128 = arith.xori %parallel_loop3A_1125, %parallel_loop3A_1127 : i1
        %parallel_loop3A_1129 = arith.andi %parallel_loop3A_1128, %parallel_loop3A_1123 : i1
        %parallel_loop3A_1130 = arith.addi %parallel_loop3A_1121, %parallel_loop3A_1120 : i32
        %parallel_loop3A_1131 = arith.select %parallel_loop3A_1129, %parallel_loop3A_1130, %parallel_loop3A_1121 : i32
        %parallel_loop3A_1132 = arith.constant 0 : i32
        %parallel_loop3A_1133 = arith.index_cast %parallel_loop3A_1132 : i32 to index
        %parallel_loop3A_1134 = arith.index_cast %parallel_loop3A_1115 : i32 to index
        %parallel_loop3A_1135 = arith.index_cast %parallel_loop3A_1131 : i32 to index
        %parallel_loop3A_1136 = arith.constant 96 : index
        %parallel_loop3A_1137 = tpu.vector_load %arg7[%parallel_loop3A_1133, %parallel_loop3A_1134, %parallel_loop3A_1135, %parallel_loop3A_1136] {strides = array<i32>} : memref<2x8x8x128xf32, #tpu.memory_space<vmem>>, vector<16xf32>,
        tpu.vector_store %arg7[%parallel_loop3A_1133, %parallel_loop3A_1134, %parallel_loop3A_1135, %parallel_loop3A_1136], %parallel_loop3A_1091 {strides = array<i32>} : memref<2x8x8x128xf32, #tpu.memory_space<vmem>>, vector<16xf32>,
        %parallel_loop3A_1138 = tpu.vector_load_idx %arg6[%get3A_396, %parallel_loop3A_808] : memref<1000x65xf32, #tpu.memory_space<vmem>>[vector<16xi32>, vector<16xi32>], vector<16xf32>,
        %parallel_loop3A_1139 = arith.constant 8 : i32
        %parallel_loop3A_1140 = arith.divsi %parallel_loop3A_804, %parallel_loop3A_1139 : i32
        %parallel_loop3A_1141 = arith.constant 0 : i32
        %parallel_loop3A_1142 = arith.cmpi sgt, %parallel_loop3A_804, %parallel_loop3A_1141 : i32
        %parallel_loop3A_1143 = arith.extui %parallel_loop3A_1142 : i1 to i32
        %parallel_loop3A_1144 = arith.constant 0 : i32
        %parallel_loop3A_1145 = arith.cmpi slt, %parallel_loop3A_804, %parallel_loop3A_1144 : i32
        %parallel_loop3A_1146 = arith.extui %parallel_loop3A_1145 : i1 to i32
        %parallel_loop3A_1147 = arith.subi %parallel_loop3A_1143, %parallel_loop3A_1146 : i32
        %parallel_loop3A_1148 = arith.constant 0 : i32
        %parallel_loop3A_1149 = arith.cmpi sgt, %parallel_loop3A_1139, %parallel_loop3A_1148 : i32
        %parallel_loop3A_1150 = arith.extui %parallel_loop3A_1149 : i1 to i32
        %parallel_loop3A_1151 = arith.constant 0 : i32
        %parallel_loop3A_1152 = arith.cmpi slt, %parallel_loop3A_1139, %parallel_loop3A_1151 : i32
        %parallel_loop3A_1153 = arith.extui %parallel_loop3A_1152 : i1 to i32
        %parallel_loop3A_1154 = arith.subi %parallel_loop3A_1150, %parallel_loop3A_1153 : i32
        %parallel_loop3A_1155 = arith.cmpi ne, %parallel_loop3A_1147, %parallel_loop3A_1154 : i32
        %parallel_loop3A_1156 = arith.remsi %parallel_loop3A_804, %parallel_loop3A_1139 : i32
        %parallel_loop3A_1157 = arith.constant 0 : i32
        %parallel_loop3A_1158 = arith.cmpi ne, %parallel_loop3A_1156, %parallel_loop3A_1157 : i32
        %parallel_loop3A_1159 = arith.andi %parallel_loop3A_1155, %parallel_loop3A_1158 : i1
        %parallel_loop3A_1160 = arith.constant 1 : i32
        %parallel_loop3A_1161 = arith.subi %parallel_loop3A_1140, %parallel_loop3A_1160 : i32
        %parallel_loop3A_1162 = arith.select %parallel_loop3A_1159, %parallel_loop3A_1161, %parallel_loop3A_1140 : i32
        %parallel_loop3A_1163 = arith.constant 8 : i32
        %parallel_loop3A_1164 = arith.constant 0 : i32
        %parallel_loop3A_1165 = arith.cmpi eq, %parallel_loop3A_1163, %parallel_loop3A_1164 : i32
        %parallel_loop3A_1166 = arith.constant 1 : i32
        %parallel_loop3A_1167 = arith.select %parallel_loop3A_1165, %parallel_loop3A_1166, %parallel_loop3A_1163 : i32
        %parallel_loop3A_1168 = arith.remsi %parallel_loop3A_804, %parallel_loop3A_1167 : i32
        %parallel_loop3A_1169 = arith.constant 0 : i32
        %parallel_loop3A_1170 = arith.cmpi ne, %parallel_loop3A_1168, %parallel_loop3A_1169 : i32
        %parallel_loop3A_1171 = arith.constant 0 : i32
        %parallel_loop3A_1172 = arith.cmpi slt, %parallel_loop3A_1168, %parallel_loop3A_1171 : i32
        %parallel_loop3A_1173 = arith.constant 0 : i32
        %parallel_loop3A_1174 = arith.cmpi slt, %parallel_loop3A_1167, %parallel_loop3A_1173 : i32
        %parallel_loop3A_1175 = arith.xori %parallel_loop3A_1172, %parallel_loop3A_1174 : i1
        %parallel_loop3A_1176 = arith.andi %parallel_loop3A_1175, %parallel_loop3A_1170 : i1
        %parallel_loop3A_1177 = arith.addi %parallel_loop3A_1168, %parallel_loop3A_1167 : i32
        %parallel_loop3A_1178 = arith.select %parallel_loop3A_1176, %parallel_loop3A_1177, %parallel_loop3A_1168 : i32
        %parallel_loop3A_1179 = arith.constant 0 : i32
        %parallel_loop3A_1180 = arith.index_cast %parallel_loop3A_1179 : i32 to index
        %parallel_loop3A_1181 = arith.index_cast %parallel_loop3A_1162 : i32 to index
        %parallel_loop3A_1182 = arith.index_cast %parallel_loop3A_1178 : i32 to index
        %parallel_loop3A_1183 = arith.constant 112 : index
        %parallel_loop3A_1184 = tpu.vector_load %arg7[%parallel_loop3A_1180, %parallel_loop3A_1181, %parallel_loop3A_1182, %parallel_loop3A_1183] {strides = array<i32>} : memref<2x8x8x128xf32, #tpu.memory_space<vmem>>, vector<16xf32>,
        tpu.vector_store %arg7[%parallel_loop3A_1180, %parallel_loop3A_1181, %parallel_loop3A_1182, %parallel_loop3A_1183], %parallel_loop3A_1138 {strides = array<i32>} : memref<2x8x8x128xf32, #tpu.memory_space<vmem>>, vector<16xf32>,
      } {sc.loop_unroll_factor = 4 : i64, sc.parallel_access}
      %dma_start3A = arith.constant 0 : i32
      %dma_start3A_399 = arith.constant 0 : i32
      %dma_start3A_400 = arith.constant 0 : i32
      %dma_start3A_401 = arith.constant 0 : i32
      %dma_start3A_402 = tpu.memref_slice %arg7[%dma_start3A, %dma_start3A_399, %dma_start3A_400, %dma_start3A_401] : memref<2x8x8x128xf32, #tpu.memory_space<vmem>> -> memref<1x8x8x128xf32, #tpu.memory_space<vmem>>
      %dma_start3A_403 = tpu.memref_squeeze %dma_start3A_402 : memref<1x8x8x128xf32, #tpu.memory_space<vmem>> -> memref<8x8x128xf32, #tpu.memory_space<vmem>>
      %dma_start3A_404 = arith.constant 0 : i32
      %dma_start3A_405 = arith.constant 0 : i32
      %dma_start3A_406 = arith.constant 0 : i32
      %dma_start3A_407 = tpu.memref_slice %arg4[%add3A_53, %dma_start3A_404, %add3A, %dma_start3A_405, %dma_start3A_406] : memref<200x8x32x8x128xf32, #tpu.memory_space<hbm>> -> memref<1x8x1x8x128xf32, #tpu.memory_space<hbm>>
      %dma_start3A_408 = tpu.memref_squeeze %dma_start3A_407 : memref<1x8x1x8x128xf32, #tpu.memory_space<hbm>> -> memref<8x8x128xf32, #tpu.memory_space<hbm>>
      %dma_start3A_409 = arith.constant 0 : i32
      %dma_start3A_410 = arith.constant 0 : i32
      %dma_start3A_411 = arith.constant 0 : i32
      %dma_start3A_412 = tpu.memref_slice %arg4[%add3A_53, %dma_start3A_409, %add3A, %dma_start3A_410, %dma_start3A_411] : memref<200x8x32x8x128xf32, #tpu.memory_space<hbm>> -> memref<1x8x1x8x128xf32, #tpu.memory_space<hbm>>
      %dma_start3A_413 = tpu.memref_squeeze %dma_start3A_412 : memref<1x8x1x8x128xf32, #tpu.memory_space<hbm>> -> memref<8x8x128xf32, #tpu.memory_space<hbm>>
      %dma_start3A_414 = arith.constant 0 : i32
      %dma_start3A_415 = arith.constant 0 : i32
      %dma_start3A_416 = arith.constant 0 : i32
      %dma_start3A_417 = tpu.memref_slice %arg7[%dma_start3A, %dma_start3A_414, %dma_start3A_415, %dma_start3A_416] : memref<2x8x8x128xf32, #tpu.memory_space<vmem>> -> memref<1x8x8x128xf32, #tpu.memory_space<vmem>>
      %dma_start3A_418 = tpu.memref_squeeze %dma_start3A_417 : memref<1x8x8x128xf32, #tpu.memory_space<vmem>> -> memref<8x8x128xf32, #tpu.memory_space<vmem>>
      tpu.enqueue_dma source(%dma_start3A_418 : memref<8x8x128xf32, #tpu.memory_space<vmem>>) target(%dma_start3A_413 : memref<8x8x128xf32, #tpu.memory_space<hbm>>) target_semaphore(%arg8 : memref<!tpu.dma_semaphore, #tpu.memory_space<semaphore_mem>>)
      %mul3A_419 = arith.constant 2 : i32
      %mul3A_420 = arith.muli %scan3A_49, %mul3A_419 : i32
      %add3A_421 = arith.constant 1 : i32
      %add3A_422 = arith.addi %mul3A_420, %add3A_421 : i32
      %gt3A_423 = arith.constant 0 : i32
      %gt3A_424 = arith.cmpi sgt, %scan3A_49, %gt3A_423 : i32
      %convert_element_type3A_425 = arith.extui %gt3A_424 : i1 to i32
      %cond3A_426 = arith.constant 0 : i32
      %cond3A_427 = arith.cmpi ne, %convert_element_type3A_425, %cond3A_426 : i32
      scf.if %cond3A_427 {
        %sub3A_804 = arith.constant 2 : i32
        %sub3A_805 = arith.subi %add3A_422, %sub3A_804 : i32
        %dma_wait3A_806 = arith.constant 1 : i32
        %dma_wait3A_807 = arith.constant 0 : i32
        %dma_wait3A_808 = arith.constant 0 : i32
        %dma_wait3A_809 = arith.constant 0 : i32
        %dma_wait3A_810 = tpu.memref_slice %arg7[%dma_wait3A_806, %dma_wait3A_807, %dma_wait3A_808, %dma_wait3A_809] : memref<2x8x8x128xf32, #tpu.memory_space<vmem>> -> memref<1x8x8x128xf32, #tpu.memory_space<vmem>>
        %dma_wait3A_811 = tpu.memref_squeeze %dma_wait3A_810 : memref<1x8x8x128xf32, #tpu.memory_space<vmem>> -> memref<8x8x128xf32, #tpu.memory_space<vmem>>
        %dma_wait3A_812 = arith.constant 0 : i32
        %dma_wait3A_813 = arith.constant 0 : i32
        %dma_wait3A_814 = arith.constant 0 : i32
        %dma_wait3A_815 = tpu.memref_slice %arg4[%sub3A_805, %dma_wait3A_812, %add3A, %dma_wait3A_813, %dma_wait3A_814] : memref<200x8x32x8x128xf32, #tpu.memory_space<hbm>> -> memref<1x8x1x8x128xf32, #tpu.memory_space<hbm>>
        %dma_wait3A_816 = tpu.memref_squeeze %dma_wait3A_815 : memref<1x8x1x8x128xf32, #tpu.memory_space<hbm>> -> memref<8x8x128xf32, #tpu.memory_space<hbm>>
        %dma_wait3A_817 = arith.constant 0 : i32
        %dma_wait3A_818 = arith.constant 0 : i32
        %dma_wait3A_819 = arith.constant 0 : i32
        %dma_wait3A_820 = tpu.memref_slice %arg4[%sub3A_805, %dma_wait3A_817, %add3A, %dma_wait3A_818, %dma_wait3A_819] : memref<200x8x32x8x128xf32, #tpu.memory_space<hbm>> -> memref<1x8x1x8x128xf32, #tpu.memory_space<hbm>>
        %dma_wait3A_821 = tpu.memref_squeeze %dma_wait3A_820 : memref<1x8x1x8x128xf32, #tpu.memory_space<hbm>> -> memref<8x8x128xf32, #tpu.memory_space<hbm>>
        %dma_wait3A_822 = arith.constant 0 : i32
        %dma_wait3A_823 = arith.constant 0 : i32
        %dma_wait3A_824 = arith.constant 0 : i32
        %dma_wait3A_825 = tpu.memref_slice %arg7[%dma_wait3A_806, %dma_wait3A_822, %dma_wait3A_823, %dma_wait3A_824] : memref<2x8x8x128xf32, #tpu.memory_space<vmem>> -> memref<1x8x8x128xf32, #tpu.memory_space<vmem>>
        %dma_wait3A_826 = tpu.memref_squeeze %dma_wait3A_825 : memref<1x8x8x128xf32, #tpu.memory_space<vmem>> -> memref<8x8x128xf32, #tpu.memory_space<vmem>>
        tpu.wait_dma2 semaphore(%arg9 : memref<!tpu.dma_semaphore, #tpu.memory_space<semaphore_mem>>) src(%dma_wait3A_826 : memref<8x8x128xf32, #tpu.memory_space<vmem>>) dst(%dma_wait3A_821 : memref<8x8x128xf32, #tpu.memory_space<hbm>>)
      } else {
      }
      %jit3A_428 = arith.constant 8 : i32
      %div3A_429 = arith.divsi %add3A_422, %jit3A_428 : i32
      %sign3A_430 = arith.constant 0 : i32
      %sign3A_431 = arith.cmpi sgt, %add3A_422, %sign3A_430 : i32
      %sign3A_432 = arith.extui %sign3A_431 : i1 to i32
      %sign3A_433 = arith.constant 0 : i32
      %sign3A_434 = arith.cmpi slt, %add3A_422, %sign3A_433 : i32
      %sign3A_435 = arith.extui %sign3A_434 : i1 to i32
      %sign3A_436 = arith.subi %sign3A_432, %sign3A_435 : i32
      %sign3A_437 = arith.constant 0 : i32
      %sign3A_438 = arith.cmpi sgt, %jit3A_428, %sign3A_437 : i32
      %sign3A_439 = arith.extui %sign3A_438 : i1 to i32
      %sign3A_440 = arith.constant 0 : i32
      %sign3A_441 = arith.cmpi slt, %jit3A_428, %sign3A_440 : i32
      %sign3A_442 = arith.extui %sign3A_441 : i1 to i32
      %sign3A_443 = arith.subi %sign3A_439, %sign3A_442 : i32
      %ne3A_444 = arith.cmpi ne, %sign3A_436, %sign3A_443 : i32
      %rem3A_445 = arith.remsi %add3A_422, %jit3A_428 : i32
      %ne3A_446 = arith.constant 0 : i32
      %ne3A_447 = arith.cmpi ne, %rem3A_445, %ne3A_446 : i32
      %and3A_448 = arith.andi %ne3A_444, %ne3A_447 : i1
      %sub3A_449 = arith.constant 1 : i32
      %sub3A_450 = arith.subi %div3A_429, %sub3A_449 : i32
      %select_n3A_451 = arith.select %and3A_448, %sub3A_450, %div3A_429 : i32
      %jit3A_452 = arith.constant 8 : i32
      %eq3A_453 = arith.constant 0 : i32
      %eq3A_454 = arith.cmpi eq, %jit3A_452, %eq3A_453 : i32
      %jit3A_455 = arith.constant 1 : i32
      %select_n3A_456 = arith.select %eq3A_454, %jit3A_455, %jit3A_452 : i32
      %rem3A_457 = arith.remsi %add3A_422, %select_n3A_456 : i32
      %ne3A_458 = arith.constant 0 : i32
      %ne3A_459 = arith.cmpi ne, %rem3A_457, %ne3A_458 : i32
      %lt3A_460 = arith.constant 0 : i32
      %lt3A_461 = arith.cmpi slt, %rem3A_457, %lt3A_460 : i32
      %lt3A_462 = arith.constant 0 : i32
      %lt3A_463 = arith.cmpi slt, %select_n3A_456, %lt3A_462 : i32
      %ne3A_464 = arith.xori %lt3A_461, %lt3A_463 : i1
      %and3A_465 = arith.andi %ne3A_464, %ne3A_459 : i1
      %add3A_466 = arith.addi %rem3A_457, %select_n3A_456 : i32
      %select_n3A_467 = arith.select %and3A_465, %add3A_466, %rem3A_457 : i32
      %get3A_468 = arith.index_cast %select_n3A_451 : i32 to index
      %get3A_469 = arith.index_cast %select_n3A_467 : i32 to index
      %get3A_470 = arith.constant 0 : index
      %get3A_471 = tpu.vector_load %arg5[%get3A_468, %get3A_469, %get3A_470] {strides = array<i32>} : memref<25x8x128xi32, #tpu.memory_space<vmem>>, vector<16xi32>,
      %jit3A_472 = arith.constant 8 : i32
      %div3A_473 = arith.divsi %add3A_422, %jit3A_472 : i32
      %sign3A_474 = arith.constant 0 : i32
      %sign3A_475 = arith.cmpi sgt, %add3A_422, %sign3A_474 : i32
      %sign3A_476 = arith.extui %sign3A_475 : i1 to i32
      %sign3A_477 = arith.constant 0 : i32
      %sign3A_478 = arith.cmpi slt, %add3A_422, %sign3A_477 : i32
      %sign3A_479 = arith.extui %sign3A_478 : i1 to i32
      %sign3A_480 = arith.subi %sign3A_476, %sign3A_479 : i32
      %sign3A_481 = arith.constant 0 : i32
      %sign3A_482 = arith.cmpi sgt, %jit3A_472, %sign3A_481 : i32
      %sign3A_483 = arith.extui %sign3A_482 : i1 to i32
      %sign3A_484 = arith.constant 0 : i32
      %sign3A_485 = arith.cmpi slt, %jit3A_472, %sign3A_484 : i32
      %sign3A_486 = arith.extui %sign3A_485 : i1 to i32
      %sign3A_487 = arith.subi %sign3A_483, %sign3A_486 : i32
      %ne3A_488 = arith.cmpi ne, %sign3A_480, %sign3A_487 : i32
      %rem3A_489 = arith.remsi %add3A_422, %jit3A_472 : i32
      %ne3A_490 = arith.constant 0 : i32
      %ne3A_491 = arith.cmpi ne, %rem3A_489, %ne3A_490 : i32
      %and3A_492 = arith.andi %ne3A_488, %ne3A_491 : i1
      %sub3A_493 = arith.constant 1 : i32
      %sub3A_494 = arith.subi %div3A_473, %sub3A_493 : i32
      %select_n3A_495 = arith.select %and3A_492, %sub3A_494, %div3A_473 : i32
      %jit3A_496 = arith.constant 8 : i32
      %eq3A_497 = arith.constant 0 : i32
      %eq3A_498 = arith.cmpi eq, %jit3A_496, %eq3A_497 : i32
      %jit3A_499 = arith.constant 1 : i32
      %select_n3A_500 = arith.select %eq3A_498, %jit3A_499, %jit3A_496 : i32
      %rem3A_501 = arith.remsi %add3A_422, %select_n3A_500 : i32
      %ne3A_502 = arith.constant 0 : i32
      %ne3A_503 = arith.cmpi ne, %rem3A_501, %ne3A_502 : i32
      %lt3A_504 = arith.constant 0 : i32
      %lt3A_505 = arith.cmpi slt, %rem3A_501, %lt3A_504 : i32
      %lt3A_506 = arith.constant 0 : i32
      %lt3A_507 = arith.cmpi slt, %select_n3A_500, %lt3A_506 : i32
      %ne3A_508 = arith.xori %lt3A_505, %lt3A_507 : i1
      %and3A_509 = arith.andi %ne3A_508, %ne3A_503 : i1
      %add3A_510 = arith.addi %rem3A_501, %select_n3A_500 : i32
      %select_n3A_511 = arith.select %and3A_509, %add3A_510, %rem3A_501 : i32
      %get3A_512 = arith.index_cast %select_n3A_495 : i32 to index
      %get3A_513 = arith.index_cast %select_n3A_511 : i32 to index
      %get3A_514 = arith.constant 16 : index
      %get3A_515 = tpu.vector_load %arg5[%get3A_512, %get3A_513, %get3A_514] {strides = array<i32>} : memref<25x8x128xi32, #tpu.memory_space<vmem>>, vector<16xi32>,
      %jit3A_516 = arith.constant 8 : i32
      %div3A_517 = arith.divsi %add3A_422, %jit3A_516 : i32
      %sign3A_518 = arith.constant 0 : i32
      %sign3A_519 = arith.cmpi sgt, %add3A_422, %sign3A_518 : i32
      %sign3A_520 = arith.extui %sign3A_519 : i1 to i32
      %sign3A_521 = arith.constant 0 : i32
      %sign3A_522 = arith.cmpi slt, %add3A_422, %sign3A_521 : i32
      %sign3A_523 = arith.extui %sign3A_522 : i1 to i32
      %sign3A_524 = arith.subi %sign3A_520, %sign3A_523 : i32
      %sign3A_525 = arith.constant 0 : i32
      %sign3A_526 = arith.cmpi sgt, %jit3A_516, %sign3A_525 : i32
      %sign3A_527 = arith.extui %sign3A_526 : i1 to i32
      %sign3A_528 = arith.constant 0 : i32
      %sign3A_529 = arith.cmpi slt, %jit3A_516, %sign3A_528 : i32
      %sign3A_530 = arith.extui %sign3A_529 : i1 to i32
      %sign3A_531 = arith.subi %sign3A_527, %sign3A_530 : i32
      %ne3A_532 = arith.cmpi ne, %sign3A_524, %sign3A_531 : i32
      %rem3A_533 = arith.remsi %add3A_422, %jit3A_516 : i32
      %ne3A_534 = arith.constant 0 : i32
      %ne3A_535 = arith.cmpi ne, %rem3A_533, %ne3A_534 : i32
      %and3A_536 = arith.andi %ne3A_532, %ne3A_535 : i1
      %sub3A_537 = arith.constant 1 : i32
      %sub3A_538 = arith.subi %div3A_517, %sub3A_537 : i32
      %select_n3A_539 = arith.select %and3A_536, %sub3A_538, %div3A_517 : i32
      %jit3A_540 = arith.constant 8 : i32
      %eq3A_541 = arith.constant 0 : i32
      %eq3A_542 = arith.cmpi eq, %jit3A_540, %eq3A_541 : i32
      %jit3A_543 = arith.constant 1 : i32
      %select_n3A_544 = arith.select %eq3A_542, %jit3A_543, %jit3A_540 : i32
      %rem3A_545 = arith.remsi %add3A_422, %select_n3A_544 : i32
      %ne3A_546 = arith.constant 0 : i32
      %ne3A_547 = arith.cmpi ne, %rem3A_545, %ne3A_546 : i32
      %lt3A_548 = arith.constant 0 : i32
      %lt3A_549 = arith.cmpi slt, %rem3A_545, %lt3A_548 : i32
      %lt3A_550 = arith.constant 0 : i32
      %lt3A_551 = arith.cmpi slt, %select_n3A_544, %lt3A_550 : i32
      %ne3A_552 = arith.xori %lt3A_549, %lt3A_551 : i1
      %and3A_553 = arith.andi %ne3A_552, %ne3A_547 : i1
      %add3A_554 = arith.addi %rem3A_545, %select_n3A_544 : i32
      %select_n3A_555 = arith.select %and3A_553, %add3A_554, %rem3A_545 : i32
      %get3A_556 = arith.index_cast %select_n3A_539 : i32 to index
      %get3A_557 = arith.index_cast %select_n3A_555 : i32 to index
      %get3A_558 = arith.constant 32 : index
      %get3A_559 = tpu.vector_load %arg5[%get3A_556, %get3A_557, %get3A_558] {strides = array<i32>} : memref<25x8x128xi32, #tpu.memory_space<vmem>>, vector<16xi32>,
      %jit3A_560 = arith.constant 8 : i32
      %div3A_561 = arith.divsi %add3A_422, %jit3A_560 : i32
      %sign3A_562 = arith.constant 0 : i32
      %sign3A_563 = arith.cmpi sgt, %add3A_422, %sign3A_562 : i32
      %sign3A_564 = arith.extui %sign3A_563 : i1 to i32
      %sign3A_565 = arith.constant 0 : i32
      %sign3A_566 = arith.cmpi slt, %add3A_422, %sign3A_565 : i32
      %sign3A_567 = arith.extui %sign3A_566 : i1 to i32
      %sign3A_568 = arith.subi %sign3A_564, %sign3A_567 : i32
      %sign3A_569 = arith.constant 0 : i32
      %sign3A_570 = arith.cmpi sgt, %jit3A_560, %sign3A_569 : i32
      %sign3A_571 = arith.extui %sign3A_570 : i1 to i32
      %sign3A_572 = arith.constant 0 : i32
      %sign3A_573 = arith.cmpi slt, %jit3A_560, %sign3A_572 : i32
      %sign3A_574 = arith.extui %sign3A_573 : i1 to i32
      %sign3A_575 = arith.subi %sign3A_571, %sign3A_574 : i32
      %ne3A_576 = arith.cmpi ne, %sign3A_568, %sign3A_575 : i32
      %rem3A_577 = arith.remsi %add3A_422, %jit3A_560 : i32
      %ne3A_578 = arith.constant 0 : i32
      %ne3A_579 = arith.cmpi ne, %rem3A_577, %ne3A_578 : i32
      %and3A_580 = arith.andi %ne3A_576, %ne3A_579 : i1
      %sub3A_581 = arith.constant 1 : i32
      %sub3A_582 = arith.subi %div3A_561, %sub3A_581 : i32
      %select_n3A_583 = arith.select %and3A_580, %sub3A_582, %div3A_561 : i32
      %jit3A_584 = arith.constant 8 : i32
      %eq3A_585 = arith.constant 0 : i32
      %eq3A_586 = arith.cmpi eq, %jit3A_584, %eq3A_585 : i32
      %jit3A_587 = arith.constant 1 : i32
      %select_n3A_588 = arith.select %eq3A_586, %jit3A_587, %jit3A_584 : i32
      %rem3A_589 = arith.remsi %add3A_422, %select_n3A_588 : i32
      %ne3A_590 = arith.constant 0 : i32
      %ne3A_591 = arith.cmpi ne, %rem3A_589, %ne3A_590 : i32
      %lt3A_592 = arith.constant 0 : i32
      %lt3A_593 = arith.cmpi slt, %rem3A_589, %lt3A_592 : i32
      %lt3A_594 = arith.constant 0 : i32
      %lt3A_595 = arith.cmpi slt, %select_n3A_588, %lt3A_594 : i32
      %ne3A_596 = arith.xori %lt3A_593, %lt3A_595 : i1
      %and3A_597 = arith.andi %ne3A_596, %ne3A_591 : i1
      %add3A_598 = arith.addi %rem3A_589, %select_n3A_588 : i32
      %select_n3A_599 = arith.select %and3A_597, %add3A_598, %rem3A_589 : i32
      %get3A_600 = arith.index_cast %select_n3A_583 : i32 to index
      %get3A_601 = arith.index_cast %select_n3A_599 : i32 to index
      %get3A_602 = arith.constant 48 : index
      %get3A_603 = tpu.vector_load %arg5[%get3A_600, %get3A_601, %get3A_602] {strides = array<i32>} : memref<25x8x128xi32, #tpu.memory_space<vmem>>, vector<16xi32>,
      %jit3A_604 = arith.constant 8 : i32
      %div3A_605 = arith.divsi %add3A_422, %jit3A_604 : i32
      %sign3A_606 = arith.constant 0 : i32
      %sign3A_607 = arith.cmpi sgt, %add3A_422, %sign3A_606 : i32
      %sign3A_608 = arith.extui %sign3A_607 : i1 to i32
      %sign3A_609 = arith.constant 0 : i32
      %sign3A_610 = arith.cmpi slt, %add3A_422, %sign3A_609 : i32
      %sign3A_611 = arith.extui %sign3A_610 : i1 to i32
      %sign3A_612 = arith.subi %sign3A_608, %sign3A_611 : i32
      %sign3A_613 = arith.constant 0 : i32
      %sign3A_614 = arith.cmpi sgt, %jit3A_604, %sign3A_613 : i32
      %sign3A_615 = arith.extui %sign3A_614 : i1 to i32
      %sign3A_616 = arith.constant 0 : i32
      %sign3A_617 = arith.cmpi slt, %jit3A_604, %sign3A_616 : i32
      %sign3A_618 = arith.extui %sign3A_617 : i1 to i32
      %sign3A_619 = arith.subi %sign3A_615, %sign3A_618 : i32
      %ne3A_620 = arith.cmpi ne, %sign3A_612, %sign3A_619 : i32
      %rem3A_621 = arith.remsi %add3A_422, %jit3A_604 : i32
      %ne3A_622 = arith.constant 0 : i32
      %ne3A_623 = arith.cmpi ne, %rem3A_621, %ne3A_622 : i32
      %and3A_624 = arith.andi %ne3A_620, %ne3A_623 : i1
      %sub3A_625 = arith.constant 1 : i32
      %sub3A_626 = arith.subi %div3A_605, %sub3A_625 : i32
      %select_n3A_627 = arith.select %and3A_624, %sub3A_626, %div3A_605 : i32
      %jit3A_628 = arith.constant 8 : i32
      %eq3A_629 = arith.constant 0 : i32
      %eq3A_630 = arith.cmpi eq, %jit3A_628, %eq3A_629 : i32
      %jit3A_631 = arith.constant 1 : i32
      %select_n3A_632 = arith.select %eq3A_630, %jit3A_631, %jit3A_628 : i32
      %rem3A_633 = arith.remsi %add3A_422, %select_n3A_632 : i32
      %ne3A_634 = arith.constant 0 : i32
      %ne3A_635 = arith.cmpi ne, %rem3A_633, %ne3A_634 : i32
      %lt3A_636 = arith.constant 0 : i32
      %lt3A_637 = arith.cmpi slt, %rem3A_633, %lt3A_636 : i32
      %lt3A_638 = arith.constant 0 : i32
      %lt3A_639 = arith.cmpi slt, %select_n3A_632, %lt3A_638 : i32
      %ne3A_640 = arith.xori %lt3A_637, %lt3A_639 : i1
      %and3A_641 = arith.andi %ne3A_640, %ne3A_635 : i1
      %add3A_642 = arith.addi %rem3A_633, %select_n3A_632 : i32
      %select_n3A_643 = arith.select %and3A_641, %add3A_642, %rem3A_633 : i32
      %get3A_644 = arith.index_cast %select_n3A_627 : i32 to index
      %get3A_645 = arith.index_cast %select_n3A_643 : i32 to index
      %get3A_646 = arith.constant 64 : index
      %get3A_647 = tpu.vector_load %arg5[%get3A_644, %get3A_645, %get3A_646] {strides = array<i32>} : memref<25x8x128xi32, #tpu.memory_space<vmem>>, vector<16xi32>,
      %jit3A_648 = arith.constant 8 : i32
      %div3A_649 = arith.divsi %add3A_422, %jit3A_648 : i32
      %sign3A_650 = arith.constant 0 : i32
      %sign3A_651 = arith.cmpi sgt, %add3A_422, %sign3A_650 : i32
      %sign3A_652 = arith.extui %sign3A_651 : i1 to i32
      %sign3A_653 = arith.constant 0 : i32
      %sign3A_654 = arith.cmpi slt, %add3A_422, %sign3A_653 : i32
      %sign3A_655 = arith.extui %sign3A_654 : i1 to i32
      %sign3A_656 = arith.subi %sign3A_652, %sign3A_655 : i32
      %sign3A_657 = arith.constant 0 : i32
      %sign3A_658 = arith.cmpi sgt, %jit3A_648, %sign3A_657 : i32
      %sign3A_659 = arith.extui %sign3A_658 : i1 to i32
      %sign3A_660 = arith.constant 0 : i32
      %sign3A_661 = arith.cmpi slt, %jit3A_648, %sign3A_660 : i32
      %sign3A_662 = arith.extui %sign3A_661 : i1 to i32
      %sign3A_663 = arith.subi %sign3A_659, %sign3A_662 : i32
      %ne3A_664 = arith.cmpi ne, %sign3A_656, %sign3A_663 : i32
      %rem3A_665 = arith.remsi %add3A_422, %jit3A_648 : i32
      %ne3A_666 = arith.constant 0 : i32
      %ne3A_667 = arith.cmpi ne, %rem3A_665, %ne3A_666 : i32
      %and3A_668 = arith.andi %ne3A_664, %ne3A_667 : i1
      %sub3A_669 = arith.constant 1 : i32
      %sub3A_670 = arith.subi %div3A_649, %sub3A_669 : i32
      %select_n3A_671 = arith.select %and3A_668, %sub3A_670, %div3A_649 : i32
      %jit3A_672 = arith.constant 8 : i32
      %eq3A_673 = arith.constant 0 : i32
      %eq3A_674 = arith.cmpi eq, %jit3A_672, %eq3A_673 : i32
      %jit3A_675 = arith.constant 1 : i32
      %select_n3A_676 = arith.select %eq3A_674, %jit3A_675, %jit3A_672 : i32
      %rem3A_677 = arith.remsi %add3A_422, %select_n3A_676 : i32
      %ne3A_678 = arith.constant 0 : i32
      %ne3A_679 = arith.cmpi ne, %rem3A_677, %ne3A_678 : i32
      %lt3A_680 = arith.constant 0 : i32
      %lt3A_681 = arith.cmpi slt, %rem3A_677, %lt3A_680 : i32
      %lt3A_682 = arith.constant 0 : i32
      %lt3A_683 = arith.cmpi slt, %select_n3A_676, %lt3A_682 : i32
      %ne3A_684 = arith.xori %lt3A_681, %lt3A_683 : i1
      %and3A_685 = arith.andi %ne3A_684, %ne3A_679 : i1
      %add3A_686 = arith.addi %rem3A_677, %select_n3A_676 : i32
      %select_n3A_687 = arith.select %and3A_685, %add3A_686, %rem3A_677 : i32
      %get3A_688 = arith.index_cast %select_n3A_671 : i32 to index
      %get3A_689 = arith.index_cast %select_n3A_687 : i32 to index
      %get3A_690 = arith.constant 80 : index
      %get3A_691 = tpu.vector_load %arg5[%get3A_688, %get3A_689, %get3A_690] {strides = array<i32>} : memref<25x8x128xi32, #tpu.memory_space<vmem>>, vector<16xi32>,
      %jit3A_692 = arith.constant 8 : i32
      %div3A_693 = arith.divsi %add3A_422, %jit3A_692 : i32
      %sign3A_694 = arith.constant 0 : i32
      %sign3A_695 = arith.cmpi sgt, %add3A_422, %sign3A_694 : i32
      %sign3A_696 = arith.extui %sign3A_695 : i1 to i32
      %sign3A_697 = arith.constant 0 : i32
      %sign3A_698 = arith.cmpi slt, %add3A_422, %sign3A_697 : i32
      %sign3A_699 = arith.extui %sign3A_698 : i1 to i32
      %sign3A_700 = arith.subi %sign3A_696, %sign3A_699 : i32
      %sign3A_701 = arith.constant 0 : i32
      %sign3A_702 = arith.cmpi sgt, %jit3A_692, %sign3A_701 : i32
      %sign3A_703 = arith.extui %sign3A_702 : i1 to i32
      %sign3A_704 = arith.constant 0 : i32
      %sign3A_705 = arith.cmpi slt, %jit3A_692, %sign3A_704 : i32
      %sign3A_706 = arith.extui %sign3A_705 : i1 to i32
      %sign3A_707 = arith.subi %sign3A_703, %sign3A_706 : i32
      %ne3A_708 = arith.cmpi ne, %sign3A_700, %sign3A_707 : i32
      %rem3A_709 = arith.remsi %add3A_422, %jit3A_692 : i32
      %ne3A_710 = arith.constant 0 : i32
      %ne3A_711 = arith.cmpi ne, %rem3A_709, %ne3A_710 : i32
      %and3A_712 = arith.andi %ne3A_708, %ne3A_711 : i1
      %sub3A_713 = arith.constant 1 : i32
      %sub3A_714 = arith.subi %div3A_693, %sub3A_713 : i32
      %select_n3A_715 = arith.select %and3A_712, %sub3A_714, %div3A_693 : i32
      %jit3A_716 = arith.constant 8 : i32
      %eq3A_717 = arith.constant 0 : i32
      %eq3A_718 = arith.cmpi eq, %jit3A_716, %eq3A_717 : i32
      %jit3A_719 = arith.constant 1 : i32
      %select_n3A_720 = arith.select %eq3A_718, %jit3A_719, %jit3A_716 : i32
      %rem3A_721 = arith.remsi %add3A_422, %select_n3A_720 : i32
      %ne3A_722 = arith.constant 0 : i32
      %ne3A_723 = arith.cmpi ne, %rem3A_721, %ne3A_722 : i32
      %lt3A_724 = arith.constant 0 : i32
      %lt3A_725 = arith.cmpi slt, %rem3A_721, %lt3A_724 : i32
      %lt3A_726 = arith.constant 0 : i32
      %lt3A_727 = arith.cmpi slt, %select_n3A_720, %lt3A_726 : i32
      %ne3A_728 = arith.xori %lt3A_725, %lt3A_727 : i1
      %and3A_729 = arith.andi %ne3A_728, %ne3A_723 : i1
      %add3A_730 = arith.addi %rem3A_721, %select_n3A_720 : i32
      %select_n3A_731 = arith.select %and3A_729, %add3A_730, %rem3A_721 : i32
      %get3A_732 = arith.index_cast %select_n3A_715 : i32 to index
      %get3A_733 = arith.index_cast %select_n3A_731 : i32 to index
      %get3A_734 = arith.constant 96 : index
      %get3A_735 = tpu.vector_load %arg5[%get3A_732, %get3A_733, %get3A_734] {strides = array<i32>} : memref<25x8x128xi32, #tpu.memory_space<vmem>>, vector<16xi32>,
      %jit3A_736 = arith.constant 8 : i32
      %div3A_737 = arith.divsi %add3A_422, %jit3A_736 : i32
      %sign3A_738 = arith.constant 0 : i32
      %sign3A_739 = arith.cmpi sgt, %add3A_422, %sign3A_738 : i32
      %sign3A_740 = arith.extui %sign3A_739 : i1 to i32
      %sign3A_741 = arith.constant 0 : i32
      %sign3A_742 = arith.cmpi slt, %add3A_422, %sign3A_741 : i32
      %sign3A_743 = arith.extui %sign3A_742 : i1 to i32
      %sign3A_744 = arith.subi %sign3A_740, %sign3A_743 : i32
      %sign3A_745 = arith.constant 0 : i32
      %sign3A_746 = arith.cmpi sgt, %jit3A_736, %sign3A_745 : i32
      %sign3A_747 = arith.extui %sign3A_746 : i1 to i32
      %sign3A_748 = arith.constant 0 : i32
      %sign3A_749 = arith.cmpi slt, %jit3A_736, %sign3A_748 : i32
      %sign3A_750 = arith.extui %sign3A_749 : i1 to i32
      %sign3A_751 = arith.subi %sign3A_747, %sign3A_750 : i32
      %ne3A_752 = arith.cmpi ne, %sign3A_744, %sign3A_751 : i32
      %rem3A_753 = arith.remsi %add3A_422, %jit3A_736 : i32
      %ne3A_754 = arith.constant 0 : i32
      %ne3A_755 = arith.cmpi ne, %rem3A_753, %ne3A_754 : i32
      %and3A_756 = arith.andi %ne3A_752, %ne3A_755 : i1
      %sub3A_757 = arith.constant 1 : i32
      %sub3A_758 = arith.subi %div3A_737, %sub3A_757 : i32
      %select_n3A_759 = arith.select %and3A_756, %sub3A_758, %div3A_737 : i32
      %jit3A_760 = arith.constant 8 : i32
      %eq3A_761 = arith.constant 0 : i32
      %eq3A_762 = arith.cmpi eq, %jit3A_760, %eq3A_761 : i32
      %jit3A_763 = arith.constant 1 : i32
      %select_n3A_764 = arith.select %eq3A_762, %jit3A_763, %jit3A_760 : i32
      %rem3A_765 = arith.remsi %add3A_422, %select_n3A_764 : i32
      %ne3A_766 = arith.constant 0 : i32
      %ne3A_767 = arith.cmpi ne, %rem3A_765, %ne3A_766 : i32
      %lt3A_768 = arith.constant 0 : i32
      %lt3A_769 = arith.cmpi slt, %rem3A_765, %lt3A_768 : i32
      %lt3A_770 = arith.constant 0 : i32
      %lt3A_771 = arith.cmpi slt, %select_n3A_764, %lt3A_770 : i32
      %ne3A_772 = arith.xori %lt3A_769, %lt3A_771 : i1
      %and3A_773 = arith.andi %ne3A_772, %ne3A_767 : i1
      %add3A_774 = arith.addi %rem3A_765, %select_n3A_764 : i32
      %select_n3A_775 = arith.select %and3A_773, %add3A_774, %rem3A_765 : i32
      %get3A_776 = arith.index_cast %select_n3A_759 : i32 to index
      %get3A_777 = arith.index_cast %select_n3A_775 : i32 to index
      %get3A_778 = arith.constant 112 : index
      %get3A_779 = tpu.vector_load %arg5[%get3A_776, %get3A_777, %get3A_778] {strides = array<i32>} : memref<25x8x128xi32, #tpu.memory_space<vmem>>, vector<16xi32>,
      %parallel_loop3A_780 = arith.constant 0 : i32
      %parallel_loop3A_781 = arith.constant 64 : i32
      %parallel_loop3A_782 = arith.constant 1 : i32
      scf.for %parallel_loop3A_804 = %parallel_loop3A_780 to %parallel_loop3A_781 step %parallel_loop3A_782  : i32 {
        %parallel_loop3A_805 = arith.constant 0 : i32
        %parallel_loop3A_806 = vector.broadcast %parallel_loop3A_805 : i32 to vector<16xi32>
        %parallel_loop3A_807 = vector.broadcast %parallel_loop3A_804 : i32 to vector<16xi32>
        %parallel_loop3A_808 = arith.addi %parallel_loop3A_806, %parallel_loop3A_807 : vector<16xi32>
        %parallel_loop3A_809 = tpu.vector_load_idx %arg6[%get3A_471, %parallel_loop3A_808] : memref<1000x65xf32, #tpu.memory_space<vmem>>[vector<16xi32>, vector<16xi32>], vector<16xf32>,
        %parallel_loop3A_810 = arith.constant 8 : i32
        %parallel_loop3A_811 = arith.divsi %parallel_loop3A_804, %parallel_loop3A_810 : i32
        %parallel_loop3A_812 = arith.constant 0 : i32
        %parallel_loop3A_813 = arith.cmpi sgt, %parallel_loop3A_804, %parallel_loop3A_812 : i32
        %parallel_loop3A_814 = arith.extui %parallel_loop3A_813 : i1 to i32
        %parallel_loop3A_815 = arith.constant 0 : i32
        %parallel_loop3A_816 = arith.cmpi slt, %parallel_loop3A_804, %parallel_loop3A_815 : i32
        %parallel_loop3A_817 = arith.extui %parallel_loop3A_816 : i1 to i32
        %parallel_loop3A_818 = arith.subi %parallel_loop3A_814, %parallel_loop3A_817 : i32
        %parallel_loop3A_819 = arith.constant 0 : i32
        %parallel_loop3A_820 = arith.cmpi sgt, %parallel_loop3A_810, %parallel_loop3A_819 : i32
        %parallel_loop3A_821 = arith.extui %parallel_loop3A_820 : i1 to i32
        %parallel_loop3A_822 = arith.constant 0 : i32
        %parallel_loop3A_823 = arith.cmpi slt, %parallel_loop3A_810, %parallel_loop3A_822 : i32
        %parallel_loop3A_824 = arith.extui %parallel_loop3A_823 : i1 to i32
        %parallel_loop3A_825 = arith.subi %parallel_loop3A_821, %parallel_loop3A_824 : i32
        %parallel_loop3A_826 = arith.cmpi ne, %parallel_loop3A_818, %parallel_loop3A_825 : i32
        %parallel_loop3A_827 = arith.remsi %parallel_loop3A_804, %parallel_loop3A_810 : i32
        %parallel_loop3A_828 = arith.constant 0 : i32
        %parallel_loop3A_829 = arith.cmpi ne, %parallel_loop3A_827, %parallel_loop3A_828 : i32
        %parallel_loop3A_830 = arith.andi %parallel_loop3A_826, %parallel_loop3A_829 : i1
        %parallel_loop3A_831 = arith.constant 1 : i32
        %parallel_loop3A_832 = arith.subi %parallel_loop3A_811, %parallel_loop3A_831 : i32
        %parallel_loop3A_833 = arith.select %parallel_loop3A_830, %parallel_loop3A_832, %parallel_loop3A_811 : i32
        %parallel_loop3A_834 = arith.constant 8 : i32
        %parallel_loop3A_835 = arith.constant 0 : i32
        %parallel_loop3A_836 = arith.cmpi eq, %parallel_loop3A_834, %parallel_loop3A_835 : i32
        %parallel_loop3A_837 = arith.constant 1 : i32
        %parallel_loop3A_838 = arith.select %parallel_loop3A_836, %parallel_loop3A_837, %parallel_loop3A_834 : i32
        %parallel_loop3A_839 = arith.remsi %parallel_loop3A_804, %parallel_loop3A_838 : i32
        %parallel_loop3A_840 = arith.constant 0 : i32
        %parallel_loop3A_841 = arith.cmpi ne, %parallel_loop3A_839, %parallel_loop3A_840 : i32
        %parallel_loop3A_842 = arith.constant 0 : i32
        %parallel_loop3A_843 = arith.cmpi slt, %parallel_loop3A_839, %parallel_loop3A_842 : i32
        %parallel_loop3A_844 = arith.constant 0 : i32
        %parallel_loop3A_845 = arith.cmpi slt, %parallel_loop3A_838, %parallel_loop3A_844 : i32
        %parallel_loop3A_846 = arith.xori %parallel_loop3A_843, %parallel_loop3A_845 : i1
        %parallel_loop3A_847 = arith.andi %parallel_loop3A_846, %parallel_loop3A_841 : i1
        %parallel_loop3A_848 = arith.addi %parallel_loop3A_839, %parallel_loop3A_838 : i32
        %parallel_loop3A_849 = arith.select %parallel_loop3A_847, %parallel_loop3A_848, %parallel_loop3A_839 : i32
        %parallel_loop3A_850 = arith.constant 1 : i32
        %parallel_loop3A_851 = arith.index_cast %parallel_loop3A_850 : i32 to index
        %parallel_loop3A_852 = arith.index_cast %parallel_loop3A_833 : i32 to index
        %parallel_loop3A_853 = arith.index_cast %parallel_loop3A_849 : i32 to index
        %parallel_loop3A_854 = arith.constant 0 : index
        %parallel_loop3A_855 = tpu.vector_load %arg7[%parallel_loop3A_851, %parallel_loop3A_852, %parallel_loop3A_853, %parallel_loop3A_854] {strides = array<i32>} : memref<2x8x8x128xf32, #tpu.memory_space<vmem>>, vector<16xf32>,
        tpu.vector_store %arg7[%parallel_loop3A_851, %parallel_loop3A_852, %parallel_loop3A_853, %parallel_loop3A_854], %parallel_loop3A_809 {strides = array<i32>} : memref<2x8x8x128xf32, #tpu.memory_space<vmem>>, vector<16xf32>,
        %parallel_loop3A_856 = tpu.vector_load_idx %arg6[%get3A_515, %parallel_loop3A_808] : memref<1000x65xf32, #tpu.memory_space<vmem>>[vector<16xi32>, vector<16xi32>], vector<16xf32>,
        %parallel_loop3A_857 = arith.constant 8 : i32
        %parallel_loop3A_858 = arith.divsi %parallel_loop3A_804, %parallel_loop3A_857 : i32
        %parallel_loop3A_859 = arith.constant 0 : i32
        %parallel_loop3A_860 = arith.cmpi sgt, %parallel_loop3A_804, %parallel_loop3A_859 : i32
        %parallel_loop3A_861 = arith.extui %parallel_loop3A_860 : i1 to i32
        %parallel_loop3A_862 = arith.constant 0 : i32
        %parallel_loop3A_863 = arith.cmpi slt, %parallel_loop3A_804, %parallel_loop3A_862 : i32
        %parallel_loop3A_864 = arith.extui %parallel_loop3A_863 : i1 to i32
        %parallel_loop3A_865 = arith.subi %parallel_loop3A_861, %parallel_loop3A_864 : i32
        %parallel_loop3A_866 = arith.constant 0 : i32
        %parallel_loop3A_867 = arith.cmpi sgt, %parallel_loop3A_857, %parallel_loop3A_866 : i32
        %parallel_loop3A_868 = arith.extui %parallel_loop3A_867 : i1 to i32
        %parallel_loop3A_869 = arith.constant 0 : i32
        %parallel_loop3A_870 = arith.cmpi slt, %parallel_loop3A_857, %parallel_loop3A_869 : i32
        %parallel_loop3A_871 = arith.extui %parallel_loop3A_870 : i1 to i32
        %parallel_loop3A_872 = arith.subi %parallel_loop3A_868, %parallel_loop3A_871 : i32
        %parallel_loop3A_873 = arith.cmpi ne, %parallel_loop3A_865, %parallel_loop3A_872 : i32
        %parallel_loop3A_874 = arith.remsi %parallel_loop3A_804, %parallel_loop3A_857 : i32
        %parallel_loop3A_875 = arith.constant 0 : i32
        %parallel_loop3A_876 = arith.cmpi ne, %parallel_loop3A_874, %parallel_loop3A_875 : i32
        %parallel_loop3A_877 = arith.andi %parallel_loop3A_873, %parallel_loop3A_876 : i1
        %parallel_loop3A_878 = arith.constant 1 : i32
        %parallel_loop3A_879 = arith.subi %parallel_loop3A_858, %parallel_loop3A_878 : i32
        %parallel_loop3A_880 = arith.select %parallel_loop3A_877, %parallel_loop3A_879, %parallel_loop3A_858 : i32
        %parallel_loop3A_881 = arith.constant 8 : i32
        %parallel_loop3A_882 = arith.constant 0 : i32
        %parallel_loop3A_883 = arith.cmpi eq, %parallel_loop3A_881, %parallel_loop3A_882 : i32
        %parallel_loop3A_884 = arith.constant 1 : i32
        %parallel_loop3A_885 = arith.select %parallel_loop3A_883, %parallel_loop3A_884, %parallel_loop3A_881 : i32
        %parallel_loop3A_886 = arith.remsi %parallel_loop3A_804, %parallel_loop3A_885 : i32
        %parallel_loop3A_887 = arith.constant 0 : i32
        %parallel_loop3A_888 = arith.cmpi ne, %parallel_loop3A_886, %parallel_loop3A_887 : i32
        %parallel_loop3A_889 = arith.constant 0 : i32
        %parallel_loop3A_890 = arith.cmpi slt, %parallel_loop3A_886, %parallel_loop3A_889 : i32
        %parallel_loop3A_891 = arith.constant 0 : i32
        %parallel_loop3A_892 = arith.cmpi slt, %parallel_loop3A_885, %parallel_loop3A_891 : i32
        %parallel_loop3A_893 = arith.xori %parallel_loop3A_890, %parallel_loop3A_892 : i1
        %parallel_loop3A_894 = arith.andi %parallel_loop3A_893, %parallel_loop3A_888 : i1
        %parallel_loop3A_895 = arith.addi %parallel_loop3A_886, %parallel_loop3A_885 : i32
        %parallel_loop3A_896 = arith.select %parallel_loop3A_894, %parallel_loop3A_895, %parallel_loop3A_886 : i32
        %parallel_loop3A_897 = arith.constant 1 : i32
        %parallel_loop3A_898 = arith.index_cast %parallel_loop3A_897 : i32 to index
        %parallel_loop3A_899 = arith.index_cast %parallel_loop3A_880 : i32 to index
        %parallel_loop3A_900 = arith.index_cast %parallel_loop3A_896 : i32 to index
        %parallel_loop3A_901 = arith.constant 16 : index
        %parallel_loop3A_902 = tpu.vector_load %arg7[%parallel_loop3A_898, %parallel_loop3A_899, %parallel_loop3A_900, %parallel_loop3A_901] {strides = array<i32>} : memref<2x8x8x128xf32, #tpu.memory_space<vmem>>, vector<16xf32>,
        tpu.vector_store %arg7[%parallel_loop3A_898, %parallel_loop3A_899, %parallel_loop3A_900, %parallel_loop3A_901], %parallel_loop3A_856 {strides = array<i32>} : memref<2x8x8x128xf32, #tpu.memory_space<vmem>>, vector<16xf32>,
        %parallel_loop3A_903 = tpu.vector_load_idx %arg6[%get3A_559, %parallel_loop3A_808] : memref<1000x65xf32, #tpu.memory_space<vmem>>[vector<16xi32>, vector<16xi32>], vector<16xf32>,
        %parallel_loop3A_904 = arith.constant 8 : i32
        %parallel_loop3A_905 = arith.divsi %parallel_loop3A_804, %parallel_loop3A_904 : i32
        %parallel_loop3A_906 = arith.constant 0 : i32
        %parallel_loop3A_907 = arith.cmpi sgt, %parallel_loop3A_804, %parallel_loop3A_906 : i32
        %parallel_loop3A_908 = arith.extui %parallel_loop3A_907 : i1 to i32
        %parallel_loop3A_909 = arith.constant 0 : i32
        %parallel_loop3A_910 = arith.cmpi slt, %parallel_loop3A_804, %parallel_loop3A_909 : i32
        %parallel_loop3A_911 = arith.extui %parallel_loop3A_910 : i1 to i32
        %parallel_loop3A_912 = arith.subi %parallel_loop3A_908, %parallel_loop3A_911 : i32
        %parallel_loop3A_913 = arith.constant 0 : i32
        %parallel_loop3A_914 = arith.cmpi sgt, %parallel_loop3A_904, %parallel_loop3A_913 : i32
        %parallel_loop3A_915 = arith.extui %parallel_loop3A_914 : i1 to i32
        %parallel_loop3A_916 = arith.constant 0 : i32
        %parallel_loop3A_917 = arith.cmpi slt, %parallel_loop3A_904, %parallel_loop3A_916 : i32
        %parallel_loop3A_918 = arith.extui %parallel_loop3A_917 : i1 to i32
        %parallel_loop3A_919 = arith.subi %parallel_loop3A_915, %parallel_loop3A_918 : i32
        %parallel_loop3A_920 = arith.cmpi ne, %parallel_loop3A_912, %parallel_loop3A_919 : i32
        %parallel_loop3A_921 = arith.remsi %parallel_loop3A_804, %parallel_loop3A_904 : i32
        %parallel_loop3A_922 = arith.constant 0 : i32
        %parallel_loop3A_923 = arith.cmpi ne, %parallel_loop3A_921, %parallel_loop3A_922 : i32
        %parallel_loop3A_924 = arith.andi %parallel_loop3A_920, %parallel_loop3A_923 : i1
        %parallel_loop3A_925 = arith.constant 1 : i32
        %parallel_loop3A_926 = arith.subi %parallel_loop3A_905, %parallel_loop3A_925 : i32
        %parallel_loop3A_927 = arith.select %parallel_loop3A_924, %parallel_loop3A_926, %parallel_loop3A_905 : i32
        %parallel_loop3A_928 = arith.constant 8 : i32
        %parallel_loop3A_929 = arith.constant 0 : i32
        %parallel_loop3A_930 = arith.cmpi eq, %parallel_loop3A_928, %parallel_loop3A_929 : i32
        %parallel_loop3A_931 = arith.constant 1 : i32
        %parallel_loop3A_932 = arith.select %parallel_loop3A_930, %parallel_loop3A_931, %parallel_loop3A_928 : i32
        %parallel_loop3A_933 = arith.remsi %parallel_loop3A_804, %parallel_loop3A_932 : i32
        %parallel_loop3A_934 = arith.constant 0 : i32
        %parallel_loop3A_935 = arith.cmpi ne, %parallel_loop3A_933, %parallel_loop3A_934 : i32
        %parallel_loop3A_936 = arith.constant 0 : i32
        %parallel_loop3A_937 = arith.cmpi slt, %parallel_loop3A_933, %parallel_loop3A_936 : i32
        %parallel_loop3A_938 = arith.constant 0 : i32
        %parallel_loop3A_939 = arith.cmpi slt, %parallel_loop3A_932, %parallel_loop3A_938 : i32
        %parallel_loop3A_940 = arith.xori %parallel_loop3A_937, %parallel_loop3A_939 : i1
        %parallel_loop3A_941 = arith.andi %parallel_loop3A_940, %parallel_loop3A_935 : i1
        %parallel_loop3A_942 = arith.addi %parallel_loop3A_933, %parallel_loop3A_932 : i32
        %parallel_loop3A_943 = arith.select %parallel_loop3A_941, %parallel_loop3A_942, %parallel_loop3A_933 : i32
        %parallel_loop3A_944 = arith.constant 1 : i32
        %parallel_loop3A_945 = arith.index_cast %parallel_loop3A_944 : i32 to index
        %parallel_loop3A_946 = arith.index_cast %parallel_loop3A_927 : i32 to index
        %parallel_loop3A_947 = arith.index_cast %parallel_loop3A_943 : i32 to index
        %parallel_loop3A_948 = arith.constant 32 : index
        %parallel_loop3A_949 = tpu.vector_load %arg7[%parallel_loop3A_945, %parallel_loop3A_946, %parallel_loop3A_947, %parallel_loop3A_948] {strides = array<i32>} : memref<2x8x8x128xf32, #tpu.memory_space<vmem>>, vector<16xf32>,
        tpu.vector_store %arg7[%parallel_loop3A_945, %parallel_loop3A_946, %parallel_loop3A_947, %parallel_loop3A_948], %parallel_loop3A_903 {strides = array<i32>} : memref<2x8x8x128xf32, #tpu.memory_space<vmem>>, vector<16xf32>,
        %parallel_loop3A_950 = tpu.vector_load_idx %arg6[%get3A_603, %parallel_loop3A_808] : memref<1000x65xf32, #tpu.memory_space<vmem>>[vector<16xi32>, vector<16xi32>], vector<16xf32>,
        %parallel_loop3A_951 = arith.constant 8 : i32
        %parallel_loop3A_952 = arith.divsi %parallel_loop3A_804, %parallel_loop3A_951 : i32
        %parallel_loop3A_953 = arith.constant 0 : i32
        %parallel_loop3A_954 = arith.cmpi sgt, %parallel_loop3A_804, %parallel_loop3A_953 : i32
        %parallel_loop3A_955 = arith.extui %parallel_loop3A_954 : i1 to i32
        %parallel_loop3A_956 = arith.constant 0 : i32
        %parallel_loop3A_957 = arith.cmpi slt, %parallel_loop3A_804, %parallel_loop3A_956 : i32
        %parallel_loop3A_958 = arith.extui %parallel_loop3A_957 : i1 to i32
        %parallel_loop3A_959 = arith.subi %parallel_loop3A_955, %parallel_loop3A_958 : i32
        %parallel_loop3A_960 = arith.constant 0 : i32
        %parallel_loop3A_961 = arith.cmpi sgt, %parallel_loop3A_951, %parallel_loop3A_960 : i32
        %parallel_loop3A_962 = arith.extui %parallel_loop3A_961 : i1 to i32
        %parallel_loop3A_963 = arith.constant 0 : i32
        %parallel_loop3A_964 = arith.cmpi slt, %parallel_loop3A_951, %parallel_loop3A_963 : i32
        %parallel_loop3A_965 = arith.extui %parallel_loop3A_964 : i1 to i32
        %parallel_loop3A_966 = arith.subi %parallel_loop3A_962, %parallel_loop3A_965 : i32
        %parallel_loop3A_967 = arith.cmpi ne, %parallel_loop3A_959, %parallel_loop3A_966 : i32
        %parallel_loop3A_968 = arith.remsi %parallel_loop3A_804, %parallel_loop3A_951 : i32
        %parallel_loop3A_969 = arith.constant 0 : i32
        %parallel_loop3A_970 = arith.cmpi ne, %parallel_loop3A_968, %parallel_loop3A_969 : i32
        %parallel_loop3A_971 = arith.andi %parallel_loop3A_967, %parallel_loop3A_970 : i1
        %parallel_loop3A_972 = arith.constant 1 : i32
        %parallel_loop3A_973 = arith.subi %parallel_loop3A_952, %parallel_loop3A_972 : i32
        %parallel_loop3A_974 = arith.select %parallel_loop3A_971, %parallel_loop3A_973, %parallel_loop3A_952 : i32
        %parallel_loop3A_975 = arith.constant 8 : i32
        %parallel_loop3A_976 = arith.constant 0 : i32
        %parallel_loop3A_977 = arith.cmpi eq, %parallel_loop3A_975, %parallel_loop3A_976 : i32
        %parallel_loop3A_978 = arith.constant 1 : i32
        %parallel_loop3A_979 = arith.select %parallel_loop3A_977, %parallel_loop3A_978, %parallel_loop3A_975 : i32
        %parallel_loop3A_980 = arith.remsi %parallel_loop3A_804, %parallel_loop3A_979 : i32
        %parallel_loop3A_981 = arith.constant 0 : i32
        %parallel_loop3A_982 = arith.cmpi ne, %parallel_loop3A_980, %parallel_loop3A_981 : i32
        %parallel_loop3A_983 = arith.constant 0 : i32
        %parallel_loop3A_984 = arith.cmpi slt, %parallel_loop3A_980, %parallel_loop3A_983 : i32
        %parallel_loop3A_985 = arith.constant 0 : i32
        %parallel_loop3A_986 = arith.cmpi slt, %parallel_loop3A_979, %parallel_loop3A_985 : i32
        %parallel_loop3A_987 = arith.xori %parallel_loop3A_984, %parallel_loop3A_986 : i1
        %parallel_loop3A_988 = arith.andi %parallel_loop3A_987, %parallel_loop3A_982 : i1
        %parallel_loop3A_989 = arith.addi %parallel_loop3A_980, %parallel_loop3A_979 : i32
        %parallel_loop3A_990 = arith.select %parallel_loop3A_988, %parallel_loop3A_989, %parallel_loop3A_980 : i32
        %parallel_loop3A_991 = arith.constant 1 : i32
        %parallel_loop3A_992 = arith.index_cast %parallel_loop3A_991 : i32 to index
        %parallel_loop3A_993 = arith.index_cast %parallel_loop3A_974 : i32 to index
        %parallel_loop3A_994 = arith.index_cast %parallel_loop3A_990 : i32 to index
        %parallel_loop3A_995 = arith.constant 48 : index
        %parallel_loop3A_996 = tpu.vector_load %arg7[%parallel_loop3A_992, %parallel_loop3A_993, %parallel_loop3A_994, %parallel_loop3A_995] {strides = array<i32>} : memref<2x8x8x128xf32, #tpu.memory_space<vmem>>, vector<16xf32>,
        tpu.vector_store %arg7[%parallel_loop3A_992, %parallel_loop3A_993, %parallel_loop3A_994, %parallel_loop3A_995], %parallel_loop3A_950 {strides = array<i32>} : memref<2x8x8x128xf32, #tpu.memory_space<vmem>>, vector<16xf32>,
        %parallel_loop3A_997 = tpu.vector_load_idx %arg6[%get3A_647, %parallel_loop3A_808] : memref<1000x65xf32, #tpu.memory_space<vmem>>[vector<16xi32>, vector<16xi32>], vector<16xf32>,
        %parallel_loop3A_998 = arith.constant 8 : i32
        %parallel_loop3A_999 = arith.divsi %parallel_loop3A_804, %parallel_loop3A_998 : i32
        %parallel_loop3A_1000 = arith.constant 0 : i32
        %parallel_loop3A_1001 = arith.cmpi sgt, %parallel_loop3A_804, %parallel_loop3A_1000 : i32
        %parallel_loop3A_1002 = arith.extui %parallel_loop3A_1001 : i1 to i32
        %parallel_loop3A_1003 = arith.constant 0 : i32
        %parallel_loop3A_1004 = arith.cmpi slt, %parallel_loop3A_804, %parallel_loop3A_1003 : i32
        %parallel_loop3A_1005 = arith.extui %parallel_loop3A_1004 : i1 to i32
        %parallel_loop3A_1006 = arith.subi %parallel_loop3A_1002, %parallel_loop3A_1005 : i32
        %parallel_loop3A_1007 = arith.constant 0 : i32
        %parallel_loop3A_1008 = arith.cmpi sgt, %parallel_loop3A_998, %parallel_loop3A_1007 : i32
        %parallel_loop3A_1009 = arith.extui %parallel_loop3A_1008 : i1 to i32
        %parallel_loop3A_1010 = arith.constant 0 : i32
        %parallel_loop3A_1011 = arith.cmpi slt, %parallel_loop3A_998, %parallel_loop3A_1010 : i32
        %parallel_loop3A_1012 = arith.extui %parallel_loop3A_1011 : i1 to i32
        %parallel_loop3A_1013 = arith.subi %parallel_loop3A_1009, %parallel_loop3A_1012 : i32
        %parallel_loop3A_1014 = arith.cmpi ne, %parallel_loop3A_1006, %parallel_loop3A_1013 : i32
        %parallel_loop3A_1015 = arith.remsi %parallel_loop3A_804, %parallel_loop3A_998 : i32
        %parallel_loop3A_1016 = arith.constant 0 : i32
        %parallel_loop3A_1017 = arith.cmpi ne, %parallel_loop3A_1015, %parallel_loop3A_1016 : i32
        %parallel_loop3A_1018 = arith.andi %parallel_loop3A_1014, %parallel_loop3A_1017 : i1
        %parallel_loop3A_1019 = arith.constant 1 : i32
        %parallel_loop3A_1020 = arith.subi %parallel_loop3A_999, %parallel_loop3A_1019 : i32
        %parallel_loop3A_1021 = arith.select %parallel_loop3A_1018, %parallel_loop3A_1020, %parallel_loop3A_999 : i32
        %parallel_loop3A_1022 = arith.constant 8 : i32
        %parallel_loop3A_1023 = arith.constant 0 : i32
        %parallel_loop3A_1024 = arith.cmpi eq, %parallel_loop3A_1022, %parallel_loop3A_1023 : i32
        %parallel_loop3A_1025 = arith.constant 1 : i32
        %parallel_loop3A_1026 = arith.select %parallel_loop3A_1024, %parallel_loop3A_1025, %parallel_loop3A_1022 : i32
        %parallel_loop3A_1027 = arith.remsi %parallel_loop3A_804, %parallel_loop3A_1026 : i32
        %parallel_loop3A_1028 = arith.constant 0 : i32
        %parallel_loop3A_1029 = arith.cmpi ne, %parallel_loop3A_1027, %parallel_loop3A_1028 : i32
        %parallel_loop3A_1030 = arith.constant 0 : i32
        %parallel_loop3A_1031 = arith.cmpi slt, %parallel_loop3A_1027, %parallel_loop3A_1030 : i32
        %parallel_loop3A_1032 = arith.constant 0 : i32
        %parallel_loop3A_1033 = arith.cmpi slt, %parallel_loop3A_1026, %parallel_loop3A_1032 : i32
        %parallel_loop3A_1034 = arith.xori %parallel_loop3A_1031, %parallel_loop3A_1033 : i1
        %parallel_loop3A_1035 = arith.andi %parallel_loop3A_1034, %parallel_loop3A_1029 : i1
        %parallel_loop3A_1036 = arith.addi %parallel_loop3A_1027, %parallel_loop3A_1026 : i32
        %parallel_loop3A_1037 = arith.select %parallel_loop3A_1035, %parallel_loop3A_1036, %parallel_loop3A_1027 : i32
        %parallel_loop3A_1038 = arith.constant 1 : i32
        %parallel_loop3A_1039 = arith.index_cast %parallel_loop3A_1038 : i32 to index
        %parallel_loop3A_1040 = arith.index_cast %parallel_loop3A_1021 : i32 to index
        %parallel_loop3A_1041 = arith.index_cast %parallel_loop3A_1037 : i32 to index
        %parallel_loop3A_1042 = arith.constant 64 : index
        %parallel_loop3A_1043 = tpu.vector_load %arg7[%parallel_loop3A_1039, %parallel_loop3A_1040, %parallel_loop3A_1041, %parallel_loop3A_1042] {strides = array<i32>} : memref<2x8x8x128xf32, #tpu.memory_space<vmem>>, vector<16xf32>,
        tpu.vector_store %arg7[%parallel_loop3A_1039, %parallel_loop3A_1040, %parallel_loop3A_1041, %parallel_loop3A_1042], %parallel_loop3A_997 {strides = array<i32>} : memref<2x8x8x128xf32, #tpu.memory_space<vmem>>, vector<16xf32>,
        %parallel_loop3A_1044 = tpu.vector_load_idx %arg6[%get3A_691, %parallel_loop3A_808] : memref<1000x65xf32, #tpu.memory_space<vmem>>[vector<16xi32>, vector<16xi32>], vector<16xf32>,
        %parallel_loop3A_1045 = arith.constant 8 : i32
        %parallel_loop3A_1046 = arith.divsi %parallel_loop3A_804, %parallel_loop3A_1045 : i32
        %parallel_loop3A_1047 = arith.constant 0 : i32
        %parallel_loop3A_1048 = arith.cmpi sgt, %parallel_loop3A_804, %parallel_loop3A_1047 : i32
        %parallel_loop3A_1049 = arith.extui %parallel_loop3A_1048 : i1 to i32
        %parallel_loop3A_1050 = arith.constant 0 : i32
        %parallel_loop3A_1051 = arith.cmpi slt, %parallel_loop3A_804, %parallel_loop3A_1050 : i32
        %parallel_loop3A_1052 = arith.extui %parallel_loop3A_1051 : i1 to i32
        %parallel_loop3A_1053 = arith.subi %parallel_loop3A_1049, %parallel_loop3A_1052 : i32
        %parallel_loop3A_1054 = arith.constant 0 : i32
        %parallel_loop3A_1055 = arith.cmpi sgt, %parallel_loop3A_1045, %parallel_loop3A_1054 : i32
        %parallel_loop3A_1056 = arith.extui %parallel_loop3A_1055 : i1 to i32
        %parallel_loop3A_1057 = arith.constant 0 : i32
        %parallel_loop3A_1058 = arith.cmpi slt, %parallel_loop3A_1045, %parallel_loop3A_1057 : i32
        %parallel_loop3A_1059 = arith.extui %parallel_loop3A_1058 : i1 to i32
        %parallel_loop3A_1060 = arith.subi %parallel_loop3A_1056, %parallel_loop3A_1059 : i32
        %parallel_loop3A_1061 = arith.cmpi ne, %parallel_loop3A_1053, %parallel_loop3A_1060 : i32
        %parallel_loop3A_1062 = arith.remsi %parallel_loop3A_804, %parallel_loop3A_1045 : i32
        %parallel_loop3A_1063 = arith.constant 0 : i32
        %parallel_loop3A_1064 = arith.cmpi ne, %parallel_loop3A_1062, %parallel_loop3A_1063 : i32
        %parallel_loop3A_1065 = arith.andi %parallel_loop3A_1061, %parallel_loop3A_1064 : i1
        %parallel_loop3A_1066 = arith.constant 1 : i32
        %parallel_loop3A_1067 = arith.subi %parallel_loop3A_1046, %parallel_loop3A_1066 : i32
        %parallel_loop3A_1068 = arith.select %parallel_loop3A_1065, %parallel_loop3A_1067, %parallel_loop3A_1046 : i32
        %parallel_loop3A_1069 = arith.constant 8 : i32
        %parallel_loop3A_1070 = arith.constant 0 : i32
        %parallel_loop3A_1071 = arith.cmpi eq, %parallel_loop3A_1069, %parallel_loop3A_1070 : i32
        %parallel_loop3A_1072 = arith.constant 1 : i32
        %parallel_loop3A_1073 = arith.select %parallel_loop3A_1071, %parallel_loop3A_1072, %parallel_loop3A_1069 : i32
        %parallel_loop3A_1074 = arith.remsi %parallel_loop3A_804, %parallel_loop3A_1073 : i32
        %parallel_loop3A_1075 = arith.constant 0 : i32
        %parallel_loop3A_1076 = arith.cmpi ne, %parallel_loop3A_1074, %parallel_loop3A_1075 : i32
        %parallel_loop3A_1077 = arith.constant 0 : i32
        %parallel_loop3A_1078 = arith.cmpi slt, %parallel_loop3A_1074, %parallel_loop3A_1077 : i32
        %parallel_loop3A_1079 = arith.constant 0 : i32
        %parallel_loop3A_1080 = arith.cmpi slt, %parallel_loop3A_1073, %parallel_loop3A_1079 : i32
        %parallel_loop3A_1081 = arith.xori %parallel_loop3A_1078, %parallel_loop3A_1080 : i1
        %parallel_loop3A_1082 = arith.andi %parallel_loop3A_1081, %parallel_loop3A_1076 : i1
        %parallel_loop3A_1083 = arith.addi %parallel_loop3A_1074, %parallel_loop3A_1073 : i32
        %parallel_loop3A_1084 = arith.select %parallel_loop3A_1082, %parallel_loop3A_1083, %parallel_loop3A_1074 : i32
        %parallel_loop3A_1085 = arith.constant 1 : i32
        %parallel_loop3A_1086 = arith.index_cast %parallel_loop3A_1085 : i32 to index
        %parallel_loop3A_1087 = arith.index_cast %parallel_loop3A_1068 : i32 to index
        %parallel_loop3A_1088 = arith.index_cast %parallel_loop3A_1084 : i32 to index
        %parallel_loop3A_1089 = arith.constant 80 : index
        %parallel_loop3A_1090 = tpu.vector_load %arg7[%parallel_loop3A_1086, %parallel_loop3A_1087, %parallel_loop3A_1088, %parallel_loop3A_1089] {strides = array<i32>} : memref<2x8x8x128xf32, #tpu.memory_space<vmem>>, vector<16xf32>,
        tpu.vector_store %arg7[%parallel_loop3A_1086, %parallel_loop3A_1087, %parallel_loop3A_1088, %parallel_loop3A_1089], %parallel_loop3A_1044 {strides = array<i32>} : memref<2x8x8x128xf32, #tpu.memory_space<vmem>>, vector<16xf32>,
        %parallel_loop3A_1091 = tpu.vector_load_idx %arg6[%get3A_735, %parallel_loop3A_808] : memref<1000x65xf32, #tpu.memory_space<vmem>>[vector<16xi32>, vector<16xi32>], vector<16xf32>,
        %parallel_loop3A_1092 = arith.constant 8 : i32
        %parallel_loop3A_1093 = arith.divsi %parallel_loop3A_804, %parallel_loop3A_1092 : i32
        %parallel_loop3A_1094 = arith.constant 0 : i32
        %parallel_loop3A_1095 = arith.cmpi sgt, %parallel_loop3A_804, %parallel_loop3A_1094 : i32
        %parallel_loop3A_1096 = arith.extui %parallel_loop3A_1095 : i1 to i32
        %parallel_loop3A_1097 = arith.constant 0 : i32
        %parallel_loop3A_1098 = arith.cmpi slt, %parallel_loop3A_804, %parallel_loop3A_1097 : i32
        %parallel_loop3A_1099 = arith.extui %parallel_loop3A_1098 : i1 to i32
        %parallel_loop3A_1100 = arith.subi %parallel_loop3A_1096, %parallel_loop3A_1099 : i32
        %parallel_loop3A_1101 = arith.constant 0 : i32
        %parallel_loop3A_1102 = arith.cmpi sgt, %parallel_loop3A_1092, %parallel_loop3A_1101 : i32
        %parallel_loop3A_1103 = arith.extui %parallel_loop3A_1102 : i1 to i32
        %parallel_loop3A_1104 = arith.constant 0 : i32
        %parallel_loop3A_1105 = arith.cmpi slt, %parallel_loop3A_1092, %parallel_loop3A_1104 : i32
        %parallel_loop3A_1106 = arith.extui %parallel_loop3A_1105 : i1 to i32
        %parallel_loop3A_1107 = arith.subi %parallel_loop3A_1103, %parallel_loop3A_1106 : i32
        %parallel_loop3A_1108 = arith.cmpi ne, %parallel_loop3A_1100, %parallel_loop3A_1107 : i32
        %parallel_loop3A_1109 = arith.remsi %parallel_loop3A_804, %parallel_loop3A_1092 : i32
        %parallel_loop3A_1110 = arith.constant 0 : i32
        %parallel_loop3A_1111 = arith.cmpi ne, %parallel_loop3A_1109, %parallel_loop3A_1110 : i32
        %parallel_loop3A_1112 = arith.andi %parallel_loop3A_1108, %parallel_loop3A_1111 : i1
        %parallel_loop3A_1113 = arith.constant 1 : i32
        %parallel_loop3A_1114 = arith.subi %parallel_loop3A_1093, %parallel_loop3A_1113 : i32
        %parallel_loop3A_1115 = arith.select %parallel_loop3A_1112, %parallel_loop3A_1114, %parallel_loop3A_1093 : i32
        %parallel_loop3A_1116 = arith.constant 8 : i32
        %parallel_loop3A_1117 = arith.constant 0 : i32
        %parallel_loop3A_1118 = arith.cmpi eq, %parallel_loop3A_1116, %parallel_loop3A_1117 : i32
        %parallel_loop3A_1119 = arith.constant 1 : i32
        %parallel_loop3A_1120 = arith.select %parallel_loop3A_1118, %parallel_loop3A_1119, %parallel_loop3A_1116 : i32
        %parallel_loop3A_1121 = arith.remsi %parallel_loop3A_804, %parallel_loop3A_1120 : i32
        %parallel_loop3A_1122 = arith.constant 0 : i32
        %parallel_loop3A_1123 = arith.cmpi ne, %parallel_loop3A_1121, %parallel_loop3A_1122 : i32
        %parallel_loop3A_1124 = arith.constant 0 : i32
        %parallel_loop3A_1125 = arith.cmpi slt, %parallel_loop3A_1121, %parallel_loop3A_1124 : i32
        %parallel_loop3A_1126 = arith.constant 0 : i32
        %parallel_loop3A_1127 = arith.cmpi slt, %parallel_loop3A_1120, %parallel_loop3A_1126 : i32
        %parallel_loop3A_1128 = arith.xori %parallel_loop3A_1125, %parallel_loop3A_1127 : i1
        %parallel_loop3A_1129 = arith.andi %parallel_loop3A_1128, %parallel_loop3A_1123 : i1
        %parallel_loop3A_1130 = arith.addi %parallel_loop3A_1121, %parallel_loop3A_1120 : i32
        %parallel_loop3A_1131 = arith.select %parallel_loop3A_1129, %parallel_loop3A_1130, %parallel_loop3A_1121 : i32
        %parallel_loop3A_1132 = arith.constant 1 : i32
        %parallel_loop3A_1133 = arith.index_cast %parallel_loop3A_1132 : i32 to index
        %parallel_loop3A_1134 = arith.index_cast %parallel_loop3A_1115 : i32 to index
        %parallel_loop3A_1135 = arith.index_cast %parallel_loop3A_1131 : i32 to index
        %parallel_loop3A_1136 = arith.constant 96 : index
        %parallel_loop3A_1137 = tpu.vector_load %arg7[%parallel_loop3A_1133, %parallel_loop3A_1134, %parallel_loop3A_1135, %parallel_loop3A_1136] {strides = array<i32>} : memref<2x8x8x128xf32, #tpu.memory_space<vmem>>, vector<16xf32>,
        tpu.vector_store %arg7[%parallel_loop3A_1133, %parallel_loop3A_1134, %parallel_loop3A_1135, %parallel_loop3A_1136], %parallel_loop3A_1091 {strides = array<i32>} : memref<2x8x8x128xf32, #tpu.memory_space<vmem>>, vector<16xf32>,
        %parallel_loop3A_1138 = tpu.vector_load_idx %arg6[%get3A_779, %parallel_loop3A_808] : memref<1000x65xf32, #tpu.memory_space<vmem>>[vector<16xi32>, vector<16xi32>], vector<16xf32>,
        %parallel_loop3A_1139 = arith.constant 8 : i32
        %parallel_loop3A_1140 = arith.divsi %parallel_loop3A_804, %parallel_loop3A_1139 : i32
        %parallel_loop3A_1141 = arith.constant 0 : i32
        %parallel_loop3A_1142 = arith.cmpi sgt, %parallel_loop3A_804, %parallel_loop3A_1141 : i32
        %parallel_loop3A_1143 = arith.extui %parallel_loop3A_1142 : i1 to i32
        %parallel_loop3A_1144 = arith.constant 0 : i32
        %parallel_loop3A_1145 = arith.cmpi slt, %parallel_loop3A_804, %parallel_loop3A_1144 : i32
        %parallel_loop3A_1146 = arith.extui %parallel_loop3A_1145 : i1 to i32
        %parallel_loop3A_1147 = arith.subi %parallel_loop3A_1143, %parallel_loop3A_1146 : i32
        %parallel_loop3A_1148 = arith.constant 0 : i32
        %parallel_loop3A_1149 = arith.cmpi sgt, %parallel_loop3A_1139, %parallel_loop3A_1148 : i32
        %parallel_loop3A_1150 = arith.extui %parallel_loop3A_1149 : i1 to i32
        %parallel_loop3A_1151 = arith.constant 0 : i32
        %parallel_loop3A_1152 = arith.cmpi slt, %parallel_loop3A_1139, %parallel_loop3A_1151 : i32
        %parallel_loop3A_1153 = arith.extui %parallel_loop3A_1152 : i1 to i32
        %parallel_loop3A_1154 = arith.subi %parallel_loop3A_1150, %parallel_loop3A_1153 : i32
        %parallel_loop3A_1155 = arith.cmpi ne, %parallel_loop3A_1147, %parallel_loop3A_1154 : i32
        %parallel_loop3A_1156 = arith.remsi %parallel_loop3A_804, %parallel_loop3A_1139 : i32
        %parallel_loop3A_1157 = arith.constant 0 : i32
        %parallel_loop3A_1158 = arith.cmpi ne, %parallel_loop3A_1156, %parallel_loop3A_1157 : i32
        %parallel_loop3A_1159 = arith.andi %parallel_loop3A_1155, %parallel_loop3A_1158 : i1
        %parallel_loop3A_1160 = arith.constant 1 : i32
        %parallel_loop3A_1161 = arith.subi %parallel_loop3A_1140, %parallel_loop3A_1160 : i32
        %parallel_loop3A_1162 = arith.select %parallel_loop3A_1159, %parallel_loop3A_1161, %parallel_loop3A_1140 : i32
        %parallel_loop3A_1163 = arith.constant 8 : i32
        %parallel_loop3A_1164 = arith.constant 0 : i32
        %parallel_loop3A_1165 = arith.cmpi eq, %parallel_loop3A_1163, %parallel_loop3A_1164 : i32
        %parallel_loop3A_1166 = arith.constant 1 : i32
        %parallel_loop3A_1167 = arith.select %parallel_loop3A_1165, %parallel_loop3A_1166, %parallel_loop3A_1163 : i32
        %parallel_loop3A_1168 = arith.remsi %parallel_loop3A_804, %parallel_loop3A_1167 : i32
        %parallel_loop3A_1169 = arith.constant 0 : i32
        %parallel_loop3A_1170 = arith.cmpi ne, %parallel_loop3A_1168, %parallel_loop3A_1169 : i32
        %parallel_loop3A_1171 = arith.constant 0 : i32
        %parallel_loop3A_1172 = arith.cmpi slt, %parallel_loop3A_1168, %parallel_loop3A_1171 : i32
        %parallel_loop3A_1173 = arith.constant 0 : i32
        %parallel_loop3A_1174 = arith.cmpi slt, %parallel_loop3A_1167, %parallel_loop3A_1173 : i32
        %parallel_loop3A_1175 = arith.xori %parallel_loop3A_1172, %parallel_loop3A_1174 : i1
        %parallel_loop3A_1176 = arith.andi %parallel_loop3A_1175, %parallel_loop3A_1170 : i1
        %parallel_loop3A_1177 = arith.addi %parallel_loop3A_1168, %parallel_loop3A_1167 : i32
        %parallel_loop3A_1178 = arith.select %parallel_loop3A_1176, %parallel_loop3A_1177, %parallel_loop3A_1168 : i32
        %parallel_loop3A_1179 = arith.constant 1 : i32
        %parallel_loop3A_1180 = arith.index_cast %parallel_loop3A_1179 : i32 to index
        %parallel_loop3A_1181 = arith.index_cast %parallel_loop3A_1162 : i32 to index
        %parallel_loop3A_1182 = arith.index_cast %parallel_loop3A_1178 : i32 to index
        %parallel_loop3A_1183 = arith.constant 112 : index
        %parallel_loop3A_1184 = tpu.vector_load %arg7[%parallel_loop3A_1180, %parallel_loop3A_1181, %parallel_loop3A_1182, %parallel_loop3A_1183] {strides = array<i32>} : memref<2x8x8x128xf32, #tpu.memory_space<vmem>>, vector<16xf32>,
        tpu.vector_store %arg7[%parallel_loop3A_1180, %parallel_loop3A_1181, %parallel_loop3A_1182, %parallel_loop3A_1183], %parallel_loop3A_1138 {strides = array<i32>} : memref<2x8x8x128xf32, #tpu.memory_space<vmem>>, vector<16xf32>,
      } {sc.loop_unroll_factor = 4 : i64, sc.parallel_access}
      %dma_start3A_783 = arith.constant 1 : i32
      %dma_start3A_784 = arith.constant 0 : i32
      %dma_start3A_785 = arith.constant 0 : i32
      %dma_start3A_786 = arith.constant 0 : i32
      %dma_start3A_787 = tpu.memref_slice %arg7[%dma_start3A_783, %dma_start3A_784, %dma_start3A_785, %dma_start3A_786] : memref<2x8x8x128xf32, #tpu.memory_space<vmem>> -> memref<1x8x8x128xf32, #tpu.memory_space<vmem>>
      %dma_start3A_788 = tpu.memref_squeeze %dma_start3A_787 : memref<1x8x8x128xf32, #tpu.memory_space<vmem>> -> memref<8x8x128xf32, #tpu.memory_space<vmem>>
      %dma_start3A_789 = arith.constant 0 : i32
      %dma_start3A_790 = arith.constant 0 : i32
      %dma_start3A_791 = arith.constant 0 : i32
      %dma_start3A_792 = tpu.memref_slice %arg4[%add3A_422, %dma_start3A_789, %add3A, %dma_start3A_790, %dma_start3A_791] : memref<200x8x32x8x128xf32, #tpu.memory_space<hbm>> -> memref<1x8x1x8x128xf32, #tpu.memory_space<hbm>>
      %dma_start3A_793 = tpu.memref_squeeze %dma_start3A_792 : memref<1x8x1x8x128xf32, #tpu.memory_space<hbm>> -> memref<8x8x128xf32, #tpu.memory_space<hbm>>
      %dma_start3A_794 = arith.constant 0 : i32
      %dma_start3A_795 = arith.constant 0 : i32
      %dma_start3A_796 = arith.constant 0 : i32
      %dma_start3A_797 = tpu.memref_slice %arg4[%add3A_422, %dma_start3A_794, %add3A, %dma_start3A_795, %dma_start3A_796] : memref<200x8x32x8x128xf32, #tpu.memory_space<hbm>> -> memref<1x8x1x8x128xf32, #tpu.memory_space<hbm>>
      %dma_start3A_798 = tpu.memref_squeeze %dma_start3A_797 : memref<1x8x1x8x128xf32, #tpu.memory_space<hbm>> -> memref<8x8x128xf32, #tpu.memory_space<hbm>>
      %dma_start3A_799 = arith.constant 0 : i32
      %dma_start3A_800 = arith.constant 0 : i32
      %dma_start3A_801 = arith.constant 0 : i32
      %dma_start3A_802 = tpu.memref_slice %arg7[%dma_start3A_783, %dma_start3A_799, %dma_start3A_800, %dma_start3A_801] : memref<2x8x8x128xf32, #tpu.memory_space<vmem>> -> memref<1x8x8x128xf32, #tpu.memory_space<vmem>>
      %dma_start3A_803 = tpu.memref_squeeze %dma_start3A_802 : memref<1x8x8x128xf32, #tpu.memory_space<vmem>> -> memref<8x8x128xf32, #tpu.memory_space<vmem>>
      tpu.enqueue_dma source(%dma_start3A_803 : memref<8x8x128xf32, #tpu.memory_space<vmem>>) target(%dma_start3A_798 : memref<8x8x128xf32, #tpu.memory_space<hbm>>) target_semaphore(%arg9 : memref<!tpu.dma_semaphore, #tpu.memory_space<semaphore_mem>>)
    }
    %scan3A_5 = arith.constant 100 : i32
    %dma_wait3A = arith.constant 0 : i32
    %dma_wait3A_6 = arith.constant 198 : i32
    %dma_wait3A_7 = arith.constant 0 : i32
    %dma_wait3A_8 = arith.constant 0 : i32
    %dma_wait3A_9 = arith.constant 0 : i32
    %dma_wait3A_10 = tpu.memref_slice %arg7[%dma_wait3A, %dma_wait3A_7, %dma_wait3A_8, %dma_wait3A_9] : memref<2x8x8x128xf32, #tpu.memory_space<vmem>> -> memref<1x8x8x128xf32, #tpu.memory_space<vmem>>
    %dma_wait3A_11 = tpu.memref_squeeze %dma_wait3A_10 : memref<1x8x8x128xf32, #tpu.memory_space<vmem>> -> memref<8x8x128xf32, #tpu.memory_space<vmem>>
    %dma_wait3A_12 = arith.constant 0 : i32
    %dma_wait3A_13 = arith.constant 0 : i32
    %dma_wait3A_14 = arith.constant 0 : i32
    %dma_wait3A_15 = tpu.memref_slice %arg4[%dma_wait3A_6, %dma_wait3A_12, %add3A, %dma_wait3A_13, %dma_wait3A_14] : memref<200x8x32x8x128xf32, #tpu.memory_space<hbm>> -> memref<1x8x1x8x128xf32, #tpu.memory_space<hbm>>
    %dma_wait3A_16 = tpu.memref_squeeze %dma_wait3A_15 : memref<1x8x1x8x128xf32, #tpu.memory_space<hbm>> -> memref<8x8x128xf32, #tpu.memory_space<hbm>>
    %dma_wait3A_17 = arith.constant 0 : i32
    %dma_wait3A_18 = arith.constant 0 : i32
    %dma_wait3A_19 = arith.constant 0 : i32
    %dma_wait3A_20 = tpu.memref_slice %arg4[%dma_wait3A_6, %dma_wait3A_17, %add3A, %dma_wait3A_18, %dma_wait3A_19] : memref<200x8x32x8x128xf32, #tpu.memory_space<hbm>> -> memref<1x8x1x8x128xf32, #tpu.memory_space<hbm>>
    %dma_wait3A_21 = tpu.memref_squeeze %dma_wait3A_20 : memref<1x8x1x8x128xf32, #tpu.memory_space<hbm>> -> memref<8x8x128xf32, #tpu.memory_space<hbm>>
    %dma_wait3A_22 = arith.constant 0 : i32
    %dma_wait3A_23 = arith.constant 0 : i32
    %dma_wait3A_24 = arith.constant 0 : i32
    %dma_wait3A_25 = tpu.memref_slice %arg7[%dma_wait3A, %dma_wait3A_22, %dma_wait3A_23, %dma_wait3A_24] : memref<2x8x8x128xf32, #tpu.memory_space<vmem>> -> memref<1x8x8x128xf32, #tpu.memory_space<vmem>>
    %dma_wait3A_26 = tpu.memref_squeeze %dma_wait3A_25 : memref<1x8x8x128xf32, #tpu.memory_space<vmem>> -> memref<8x8x128xf32, #tpu.memory_space<vmem>>
    tpu.wait_dma2 semaphore(%arg8 : memref<!tpu.dma_semaphore, #tpu.memory_space<semaphore_mem>>) src(%dma_wait3A_26 : memref<8x8x128xf32, #tpu.memory_space<vmem>>) dst(%dma_wait3A_21 : memref<8x8x128xf32, #tpu.memory_space<hbm>>)
    %dma_wait3A_27 = arith.constant 1 : i32
    %dma_wait3A_28 = arith.constant 199 : i32
    %dma_wait3A_29 = arith.constant 0 : i32
    %dma_wait3A_30 = arith.constant 0 : i32
    %dma_wait3A_31 = arith.constant 0 : i32
    %dma_wait3A_32 = tpu.memref_slice %arg7[%dma_wait3A_27, %dma_wait3A_29, %dma_wait3A_30, %dma_wait3A_31] : memref<2x8x8x128xf32, #tpu.memory_space<vmem>> -> memref<1x8x8x128xf32, #tpu.memory_space<vmem>>
    %dma_wait3A_33 = tpu.memref_squeeze %dma_wait3A_32 : memref<1x8x8x128xf32, #tpu.memory_space<vmem>> -> memref<8x8x128xf32, #tpu.memory_space<vmem>>
    %dma_wait3A_34 = arith.constant 0 : i32
    %dma_wait3A_35 = arith.constant 0 : i32
    %dma_wait3A_36 = arith.constant 0 : i32
    %dma_wait3A_37 = tpu.memref_slice %arg4[%dma_wait3A_28, %dma_wait3A_34, %add3A, %dma_wait3A_35, %dma_wait3A_36] : memref<200x8x32x8x128xf32, #tpu.memory_space<hbm>> -> memref<1x8x1x8x128xf32, #tpu.memory_space<hbm>>
    %dma_wait3A_38 = tpu.memref_squeeze %dma_wait3A_37 : memref<1x8x1x8x128xf32, #tpu.memory_space<hbm>> -> memref<8x8x128xf32, #tpu.memory_space<hbm>>
    %dma_wait3A_39 = arith.constant 0 : i32
    %dma_wait3A_40 = arith.constant 0 : i32
    %dma_wait3A_41 = arith.constant 0 : i32
    %dma_wait3A_42 = tpu.memref_slice %arg4[%dma_wait3A_28, %dma_wait3A_39, %add3A, %dma_wait3A_40, %dma_wait3A_41] : memref<200x8x32x8x128xf32, #tpu.memory_space<hbm>> -> memref<1x8x1x8x128xf32, #tpu.memory_space<hbm>>
    %dma_wait3A_43 = tpu.memref_squeeze %dma_wait3A_42 : memref<1x8x1x8x128xf32, #tpu.memory_space<hbm>> -> memref<8x8x128xf32, #tpu.memory_space<hbm>>
    %dma_wait3A_44 = arith.constant 0 : i32
    %dma_wait3A_45 = arith.constant 0 : i32
    %dma_wait3A_46 = arith.constant 0 : i32
    %dma_wait3A_47 = tpu.memref_slice %arg7[%dma_wait3A_27, %dma_wait3A_44, %dma_wait3A_45, %dma_wait3A_46] : memref<2x8x8x128xf32, #tpu.memory_space<vmem>> -> memref<1x8x8x128xf32, #tpu.memory_space<vmem>>
    %dma_wait3A_48 = tpu.memref_squeeze %dma_wait3A_47 : memref<1x8x8x128xf32, #tpu.memory_space<vmem>> -> memref<8x8x128xf32, #tpu.memory_space<vmem>>
    tpu.wait_dma2 semaphore(%arg9 : memref<!tpu.dma_semaphore, #tpu.memory_space<semaphore_mem>>) src(%dma_wait3A_48 : memref<8x8x128xf32, #tpu.memory_space<vmem>>) dst(%dma_wait3A_43 : memref<8x8x128xf32, #tpu.memory_space<hbm>>)
    return
  }
}

</mosaic_0001>

<sc_bundles>
// kernel: kernel.3.cloned.1.call-start
scs
__scs_entry_jumppad:
0x0: {  	(pc) =	sbr.rel $0x88, $3  }
0x1: {  	(tag) =	ssettag $0x0;
	lr =	simm.s32 $0x1  }
0x2: {  	[smem:$0x3F9F] =	sst lr;
	_ =	strace $0xD0000000  }
0x3: {  	_ = 	snop  }
0x4: {  	_ = 	snop  }
0x5: {  	_ = 	snop  }
0x6: {  	_ = 	snop  }
0x7: {  	_ = 	snop  }
__scs_overlays_trampoline_lowered:
0x8: {  	[smem:$0x3FAE] =	sst s0  }
0x9: {  	[smem:$0x3FAF] =	sst s1  }
0xa: {  	[smem:$0x3FB0] =	sst s2  }
0xb: {  	[smem:$0x3FB1] =	sst s3  }
0xc: {  	[smem:$0x3FB2] =	sst s4  }
0xd: {  	[smem:$0x3FB3] =	sst s5  }
0xe: {  	[smem:$0x3FB4] =	sst s6  }
0xf: {  	[smem:$0x3FB5] =	sst s7  }
0x10: {  	[smem:$0x3FB6] =	sst s8  }
0x11: {  	[smem:$0x3FB7] =	sst s9;
	s0 =	simm.s32 @!p0 $0x0  }
0x12: {  	s1 =	sld [smem:$0x3F9D];
	s0 =	simm.s32 @p0 $0x1  }
0x13: {  	[smem:$0x3FB8] =	sst s0;
	s0 =	simm.s32 @!p1 $0x0  }
0x14: {  	s2 =	sld [smem:$0x3F9C];
	s0 =	simm.s32 @p1 $0x1  }
0x15: {  	[smem:$0x3FB9] =	sst s0;
	s0 =	simm.s32 @!p2 $0x0  }
0x16: {  	s3 =	sld [smem:$0x3FDB];
	s0 =	simm.s32 @p2 $0x1  }
0x17: {  	s4 =	simm.s32 $0x1BF5;
	[smem:$0x3FBB] =	sst s0  }
0x18: {  	s0 =	sld [smem:$0x3F9E];
	_ =	swait.ge [sflag:s4], $0x0  }
0x19: {  	s7 =	sld [smem:$0x3F9F]  }
0x1a: {  	s8 =	sadd.s32 $0xFFFFE003, lr  }
0x1b: {  	s9 =	sadd.s32 $0xFFFFFEF7, lr;
	s5 =	simm.s32 $0xFFFFFFFF;
	p2 =	slt.u32 s8, $0xFFFFF086  }
0x1c: {  	p1 =	slt.u32 s9, $0xF7A;
	s5 =	simm.s32 @!p2 $0x0  }
0x1d: {  	s5 =	simm.s32 @p1 $0x1;
	p0 =	seq.s32 s7, s2  }
0x1e: {  	s7 =	smul.u32 @!p0 $0xF7A, s2;
	p2 =	seq.s32 @!p0 s5, $0x0  }
0x1f: {  	s9 =	smul.u32 $0xF7A, s1;
	s8 =	simm.s32 @!p0 $0x1BF5;
	p2 =	por !p2, p0  }
0x20: {  	[sflag:s8] =	ssyncset.s32 @!p0 $0xFFFFF086;
	s6 =	sadd.s32 @!p0 s3, s7;
	s7 =	simm.s32 @!p0 $0x108  }
0x21: {  	s3 =	sadd.s32 s3, s9;
	s6 =	sadd.s32 @!p0 $0x88, s6;
	s7 =	simm.s32 @p2 $0x1082  }
0x22: {  	[simem:s7], [sflag:s8] =	dma.local @!p0 [hbm:s6], $0xF7A  }
0x23: {  	s9 =	sor.u32 $0xD0000000, s2;
	s6 =	simm.s32 $0x108;
	_ =	swait.ge @!p0 [sflag:s8], $0x0  }
0x24: {  	s3 =	sadd.s32 $0x88, s3;
	s6 =	simm.s32 @!p1 $0x1082;
	[sflag:s4] =	ssyncset.s32 $0xFFFFF086  }
0x25: {  	[simem:s6], [sflag:s4] =	dma.local [hbm:s3], $0xF7A  }
0x26: {  	[smem:$0x3F9F] =	sst s1;
	(tag) =	ssettag s2;
	_ =	strace s9  }
0x27: {  	s1 =	sld [smem:$0x3FAF]  }
0x28: {  	s2 =	sld [smem:$0x3FB0]  }
0x29: {  	s4 =	sld [smem:$0x3FB2]  }
0x2a: {  	p0 =	seq.s32 s5, $0x0;
	s5 =	sld [smem:$0x3FB3]  }
0x2b: {  	s6 =	sld [smem:$0x3FB4]  }
0x2c: {  	s7 =	sld [smem:$0x3FB5]  }
0x2d: {  	s3 =	simm.s32 $0x108;
	s8 =	sld [smem:$0x3FB6]  }
0x2e: {  	s3 =	simm.s32 @!p0 $0x1082;
	s9 =	sld [smem:$0x3FB7]  }
0x2f: {  	lr =	sadd.s32 s0, s3;
	s0 =	sld [smem:$0x3FAE]  }
0x30: {  	s3 =	sld [smem:$0x3FB1]  }
0x31: {  	[smem:$0x3FBA] =	sst s10  }
0x32: {  	s10 =	sld [smem:$0x3FB8];
	_ =	sdelay $0x3  }
0x33: {  	p0 =	seq.s32 s10, $0x1;
	s10 =	sld [smem:$0x3FBA];
	_ =	sdelay $0x3  }
0x34: {  	[smem:$0x3FBA] =	sst s10  }
0x35: {  	s10 =	sld [smem:$0x3FB9];
	_ =	sdelay $0x3  }
0x36: {  	p1 =	seq.s32 s10, $0x1;
	s10 =	sld [smem:$0x3FBA];
	_ =	sdelay $0x3  }
0x37: {  	[smem:$0x3FBA] =	sst s10  }
0x38: {  	s10 =	sld [smem:$0x3FBB]  }
0x39: {  	_ = 	snop;
	(pc) =	sbr.ind lr, $3  }
0x3a: {  	_ = 	snop  }
0x3b: {  	_ = 	snop  }
0x3c: {  	p2 =	seq.s32 s10, $0x1;
	s10 =	sld [smem:$0x3FBA]  }
0x3d: {  	_ =	shalt  }
0x3e: {  	_ =	shalt  }
0x3f: {  	_ =	shalt  }
0x40: {  	_ =	shalt  }
0x41: {  	_ =	shalt  }
0x42: {  	_ =	shalt  }
0x43: {  	_ =	shalt  }
0x44: {  	_ =	shalt  }
0x45: {  	_ =	shalt  }
0x46: {  	_ =	shalt  }
0x47: {  	_ =	shalt  }
0x48: {  	_ =	shalt  }
0x49: {  	_ =	shalt  }
0x4a: {  	_ =	shalt  }
0x4b: {  	_ =	shalt  }
0x4c: {  	_ =	shalt  }
0x4d: {  	_ =	shalt  }
0x4e: {  	_ =	shalt  }
0x4f: {  	_ =	shalt  }
0x50: {  	_ =	shalt  }
0x51: {  	_ =	shalt  }
0x52: {  	_ =	shalt  }
0x53: {  	_ =	shalt  }
0x54: {  	_ =	shalt  }
0x55: {  	_ =	shalt  }
0x56: {  	_ =	shalt  }
0x57: {  	_ =	shalt  }
0x58: {  	_ =	shalt  }
0x59: {  	_ =	shalt  }
0x5a: {  	_ =	shalt  }
0x5b: {  	_ =	shalt  }
0x5c: {  	_ =	shalt  }
0x5d: {  	_ =	shalt  }
0x5e: {  	_ =	shalt  }
0x5f: {  	_ =	shalt  }
0x60: {  	_ =	shalt  }
0x61: {  	_ =	shalt  }
0x62: {  	_ =	shalt  }
0x63: {  	_ =	shalt  }
0x64: {  	_ =	shalt  }
0x65: {  	_ =	shalt  }
0x66: {  	_ =	shalt  }
0x67: {  	_ =	shalt  }
0x68: {  	_ =	shalt  }
0x69: {  	_ =	shalt  }
0x6a: {  	_ =	shalt  }
0x6b: {  	_ =	shalt  }
0x6c: {  	_ =	shalt  }
0x6d: {  	_ =	shalt  }
0x6e: {  	_ =	shalt  }
0x6f: {  	_ =	shalt  }
0x70: {  	_ =	shalt  }
0x71: {  	_ =	shalt  }
0x72: {  	_ =	shalt  }
0x73: {  	_ =	shalt  }
0x74: {  	_ =	shalt  }
0x75: {  	_ =	shalt  }
0x76: {  	_ =	shalt  }
0x77: {  	_ =	shalt  }
0x78: {  	_ =	shalt  }
0x79: {  	_ =	shalt  }
0x7a: {  	_ =	shalt  }
0x7b: {  	_ =	shalt  }
0x7c: {  	_ =	shalt  }
0x7d: {  	_ =	shalt  }
0x7e: {  	_ =	shalt  }
0x7f: {  	_ =	shalt  }
0x80: {  	_ =	shalt  }
0x81: {  	_ =	shalt  }
0x82: {  	_ =	shalt  }
0x83: {  	_ =	shalt  }
0x84: {  	_ =	shalt  }
0x85: {  	_ =	shalt  }
0x86: {  	_ =	shalt  }
0x87: {  	_ =	shalt  }
.Lfunc_end0:
.L_simem_size_0:
called_computation_lowered:
.L_overlay_start_0:
0x88: {  	s2 =	sld [smem:$0x3FD9]  }
0x89: {  	s3 =	sld [smem:$0x3FFE];
	_ =	sdelay $0x1  }
0x8a: {  	s1 =	srdreg.scid  }
0x8b: {  	s0 =	sand.u32 $0x1, s1  }
0x8c: {  	s17 =	sshll.u32 s0, $0xA;
	s2 =	sadd.s32 s3, s2  }
0x8d: {  	s2 =	sadd.s32 s2, s17  }
0x8e: {  	[smem:$0x3FC6] =	sst s2  }
0x8f: {  	_ = 	snop  }
0x90: {  	s2 =	sld [smem:$0x3FC9]  }
0x91: {  	s18 =	sld [smem:$0x3FD0];
	(tm) =	ssettm $0x1  }
0x92: {  	s4 =	sld [smem:$0x3FFB];
	_ =	sdelay $0x3  }
0x93: {  	_ =	strace s4  }
0x94: {  	s4 =	sld [smem:$0x3FFC];
	_ =	sdelay $0x3  }
0x95: {  	_ =	strace s4  }
0x96: {  	s4 =	sld [smem:$0x3FFD];
	_ =	sdelay $0x3  }
0x97: {  	_ =	strace s4  }
0x98: {  	_ =	strace $0x8FFFFFFF  }
0x99: {  	s19 =	sld [smem:$0x3FDB];
	_ =	sdelay $0x1  }
0x9a: {  	s5 =	simm.s32 $_scs_section_size  }
0x9b: {  	s6 =	simm.s32 $_size__tile_overlayer_lowered;
	s7 =	simm.s32 $_tile_overlayer_lowered  }
0x9c: {  	s22 =	simm.s32 $0x1BFF;
	s21 =	sshll.u32 s7, $0x1;
	s4 =	sadd.s32 s5, s19  }
0x9d: {  	s8 =	simm.s32 $0x0;
	s20 =	sshll.u32 s6, $0x1;
	s6 =	sadd.s32 s21, s4  }
0x9e: {  	[timem:s8], [sflag:s22] =	dma.local [hbm:s6], s20  }
0x9f: {  	_ =	swait.ge [sflag:s22], s20  }
0xa0: {  	s5 =	ssub.s32 $0x0, s20;
	[sflag:s22] =	ssyncset.done $0x0  }
0xa1: {  	[sflag:s22] =	ssyncadd.s32 s5;
	_ =	sdelay $0x1  }
0xa2: {  	s23 =	simm.s32 $0x1B8B  }
0xa3: {  	_ =	swait.ge [sflag:s23], $0x1  }
0xa4: {  	[sflag:s23] =	ssyncset.done $0x0  }
0xa5: {  	s25 =	simm.s32 $0x1B8E;
	s24 =	sld [smem:$0x3FFE];
	[sflag:s23] =	ssyncadd.s32 $0xFFFFFFFF  }
0xa6: {  	s26 =	simm.s32 $execute0_lowered;
	[smem:$0x3FD2] =	sst s25  }
0xa7: {  	s6 =	sshll.u32 s26, $0x1;
	_ =	strace $0x80000046;
	[dreg:$0x1] =	wrdreg $0xFFFFFFFF  }
0xa8: {  	s28 =	simm.s32 $_size_execute0_lowered;
	s4 =	sadd.s32 s4, s6;
	[dreg:$0x0] =	wrdreg $0x0  }
0xa9: {  	s6 =	sshll.u32 s28, $0x1;
	[dreg:$0x2] =	wrdreg s4  }
0xaa: {  	[dreg:$0x3] =	wrdreg s6  }
0xab: {  	[dreg:$0x4] =	wrdreg $0xC0  }
0xac: {  	_ =	task [dreg:s8], $0x5FFFF  }
0xad: {  	[dreg:$0x1] =	wrdreg $0xFFFFFFFF  }
0xae: {  	[dreg:$0x0] =	wrdreg $0x60  }
0xaf: {  	[dreg:$0x2] =	wrdreg s2  }
0xb0: {  	[dreg:$0x3] =	wrdreg s24  }
0xb1: {  	[dreg:$0x4] =	wrdreg s18  }
0xb2: {  	[dreg:$0x5] =	wrdreg $0x9  }
0xb3: {  	_ =	task.clear_ibuf [dreg:s8], $0x6FFFF;
	_ =	strace $0x90000046  }
0xb4: {  	s29 =	simm.s32 $0x9;
	_ =	strace $0x80000048  }
0xb5: {  	_ =	swait.ge [sflag:s29], $0x1  }
0xb6: {  	[sflag:s29] =	ssyncadd.s32 $0xFFFFFFFF  }
0xb7: {  	_ =	strace $0x90000048  }
0xb8: {  	_ =	sfence  }
0xb9: {  	s30 =	sld [smem:$0x0];
	_ =	sdelay $0x2  }
0xba: {  	s31 =	sshll.u32 s1, $0xD;
	s1 =	sshrl.u32 s1, $0x2  }
0xbb: {  	s3 =	sand.u32 $0x4000, s31;
	s1 =	sadd.s32 s1, s30  }
0xbc: {  	s0 =	sor.u32 s3, s0;
	s1 =	sshll.u32 s1, $0x11  }
0xbd: {  	s0 =	sor.u32 s1, s0  }
0xbe: {  	s0 =	sadd.s32 $0x8F2B, s0  }
0xbf: {  	[sflag:s0] =	ssyncadd.remote.s32 $0x1  }
0xc0: {  	_ =	sfence.sel $0xFFFF  }
0xc1: {  	[dreg:$0x0] =	wrdreg $0xFFFFFFFF;
	(pc) =	sbr.abs _section_cstart, $3  }
0xc2: {  	[dreg:$0x1] =	wrdreg $0xFFFFFFFF  }
0xc3: {  	_ =	task.clear_ibuf [dreg:s8], $0x2FFFF;
	_ =	strace $0x9FFFFFFF  }
0xc4: {  	(tm) =	ssettm $0x7FFFFFFF  }
0xc5: {  	_ =	shalt  }
tec
execute0_lowered:
.L_overlay_start_1:
0x0: {  	(tag) =	ssettag $0x1  }
0x1: {  	s6 =	rddreg [dreg:$0x0]  }
0x2: {  	s5 =	rddreg [dreg:$0x1]  }
0x3: {  	s2 =	rddreg [dreg:$0x2];
	s4 =	srdreg.scid  }
0x4: {  	s3 =	simm.s32 $0x0;
	s1 =	stileid.u32;
	s10 =	simm.s32 $0x8000  }
0x5: {  	s11 =	simm.s32 $0x6400;
	s12 =	simm.s32 $0x17D40;
	s13 =	simm.s32 $0x19D40  }
0x6: {  	s14 =	simm.s32 $0x1;
	s15 =	simm.s32 $0x2;
	s16 =	simm.s32 $0x0  }
0x7: {  	s4 =	sand.u32 $0x1, s4;
	s8 =	sshll.u32 s1, $0xB;
	[smem:$0x7FF] =	sst s3  }
0x8: {  	s5 =	sadd.s32 $0x400, s5;
	s7 =	ssub.s32 $0x2, s4;
	s4 =	sshll.u32 s4, $0xA  }
0x9: {  	_ =	strace $0x80000047;
	s9 =	sshrl.u32 s7, $0x1;
	s4 =	sor.u32 s4, s8  }
0xa: {  	s7 =	ssub.s32 s7, s9;
	s8 =	sshrl.u32 s4, $0x3;
	s9 =	simm.s32 $0x400  }
0xb: {  	s6 =	sadd.s32 s6, s8;
	s7 =	smax.u32 s7, $0x1;
	s8 =	simm.s32 $0x3  }
.LBB2_1:
0xc: {  	s17 =	simm.s32 $0x8  }
0xd: {  	s20 =	sadd.s32 $0x0, s5;
	s18 =	simm.s32 $0x6448;
	s19 =	simm.s32 $0x6400  }
.LBB2_2:
0xe: {  	[tilespmem:s19], [sflag:$0x3] =	stream.linear.gather [hbm4b:s20+s3], $0x40, $0x38;
	[tilespmem:$0x1BD40] =	vst v63  }
0xf: {  	s20 =	smov.u32 s17;
	s19 =	smov.u32 s18;
	p0 =	sne.s32 s17, $0x1F38  }
.Ltmp0:
0x10: {  	s17 =	sadd.s32 $0x8, s17;
	(pc) =	sbr.rel @p0 .LBB2_2-.Ltmp0, $2  }
0x11: {  	_ =	sdelay $0x2  }
0x12: {  	s18 =	sadd.s32 $0x48, s18;
	s20 =	sadd.s32 s20, s5  }
0x13: {  	[tilespmem:s19], [sflag:$0x3] =	stream.linear.gather [hbm4b:s20+s3], $0x40, $0x38;
	[tilespmem:$0x1BD40] =	vst v63  }
0x14: {  	_ =	swait.ge [sflag:s8], $0xFA00  }
0x15: {  	[sflag:s8] =	ssyncset.done $0x0  }
0x16: {  	s17 =	simm.s32 $0x0;
	[sflag:s8] =	ssyncadd.s32 $0xFFFF0600  }
0x17: {  	[tilespmem:s17], [sflag:$0x3] =	stream.strided.gather [hbm4b:s6+s9], $0x6400, s10, s9, $0x38;
	[tilespmem:$0x1BD40] =	vst v63  }
0x18: {  	_ =	swait.ge [sflag:s8], $0x6400  }
0x19: {  	[sflag:s8] =	ssyncset.done $0x0  }
0x1a: {  	s18 =	simm.s32 $0x0;
	[sflag:s8] =	ssyncadd.s32 $0xFFFF9C00  }
.LBB2_4:
0x1b: {  	p0 =	seq.s32 s18, $0x0  }
0x1c: {  	s19 =	simm.s32 @!p0 $0x1  }
0x1d: {  	_ =	swait.ge @!p0 [sflag:s19], $0x2000  }
0x1e: {  	[sflag:s19] =	ssyncset.done @!p0 $0x0  }
0x1f: {  	[sflag:s19] =	ssyncadd.s32 @!p0 $0xFFFFE000;
	s19 =	sshll.u32 s18, $0x8  }
0x20: {  	v0 =	vld [tilespmem:s19+$0x0];
	_ =	sdelay $0x2  }
0x21: {  	v2 =	vmov s17  }
0x22: {  	s20 =	simm.s32 $0x1;
	s22 =	simm.s32 $0x2;
	v8 =	vand.u32 $0x38, v2;
	v9 =	vand.u32 $0x4, v2;
	v1 =	vld [tilespmem:s19+$0x10]  }
0x23: {  	s23 =	simm.s32 $0x3;
	v2 =	vmov s20;
	v5 =	vmov s22;
	v0 =	vmul.u32 $0x48, v0  }
0x24: {  	v7 =	vmov s23;
	v10 =	vand.u32 $0x38, v2;
	v11 =	vand.u32 $0x5, v2  }
0x25: {  	v15 =	vand.u32 $0x38, v7;
	v16 =	vand.u32 $0x38, v5;
	v3 =	vld [tilespmem:s19+$0x20];
	v2 =	vadd.s32 v0, v10  }
0x26: {  	v18 =	vand.u32 $0x7, v7;
	v6 =	vld [tilespmem:s19+$0x30];
	v4 =	vadd.s32 v0, v8;
	v14 =	vor.u32 v11, v2  }
0x27: {  	v12 =	vld [tilespmem:s19+$0x40];
	v1 =	vmul.u32 $0x48, v1;
	v13 =	vor.u32 v9, v4;
	v2 =	vadd.s32 v0, v15  }
0x28: {  	v17 =	vand.u32 $0x6, v5;
	v4 =	vadd.s32 v0, v16;
	v7 =	vor.u32 v18, v2  }
0x29: {  	v5 =	vld [tilespmem:s19+$0x50];
	v21 =	vadd.s32 v1, v8;
	v19 =	vor.u32 v17, v4  }
0x2a: {  	v20 =	vld [tilespmem:s19+$0x60];
	v25 =	vadd.s32 v1, v16;
	v21 =	vor.u32 v9, v21  }
0x2b: {  	v2 =	vmul.u32 $0x48, v3;
	v3 =	vmul.u32 $0x48, v6;
	v6 =	vadd.s32 v1, v10;
	v14 =	vld.idx.msk [tilespmem:v14+s11+$0x0], $0xffff  }
0x2c: {  	s24 =	simm.s32 $0x0;
	v4 =	vmul.u32 $0x48, v12;
	v12 =	vadd.s32 v1, v15;
	v6 =	vor.u32 v11, v6;
	v13 =	vld.idx.msk [tilespmem:v13+s11+$0x0], $0xffff  }
0x2d: {  	s21 =	simm.s32 $0x80;
	s20 =	sand.u32 $0x1C00, s24;
	v25 =	vor.u32 v17, v25;
	v12 =	vor.u32 v18, v12;
	v22 =	vadd.s32 v2, v10;
	v7 =	vld.idx.msk [tilespmem:v7+s11+$0x0], $0xffff  }
0x2e: {  	s21 =	sand.u32 $0x280, s21;
	s22 =	sadd.s32 $0x17D40, s20;
	v23 =	vadd.s32 v2, v8;
	v24 =	vadd.s32 v2, v15;
	v27 =	vadd.s32 v3, v10;
	v19 =	vld.idx.msk [tilespmem:v19+s11+$0x0], $0xffff  }
0x2f: {  	s23 =	simm.s32 $0x180;
	s28 =	sor.u32 s21, s22;
	v28 =	vadd.s32 v3, v8;
	v29 =	vadd.s32 v3, v15;
	v22 =	vor.u32 v11, v22  }
0x30: {  	s26 =	simm.s32 $0x100;
	s20 =	simm.s32 $0x17D80;
	s25 =	sand.u32 $0x380, s23;
	v26 =	vld [tilespmem:s19+$0x70];
	v23 =	vor.u32 v9, v23;
	v24 =	vor.u32 v18, v24;
	v27 =	vor.u32 v11, v27;
	[tilespmem:s28+$0x0] =	vst v14  }
0x31: {  	s31 =	sand.u32 $0x300, s26;
	s29 =	sadd.s32 s25, s22;
	v14 =	vor.u32 v18, v29;
	[tilespmem:s20+$0xFFFFFFC0] =	vst v13;
	v29 =	vadd.s32 v4, v10;
	v13 =	vld.idx.msk [tilespmem:v6+s11+$0x0], $0xffff  }
0x32: {  	s21 =	sadd.s32 s31, s22;
	v28 =	vor.u32 v9, v28;
	v6 =	vmul.u32 $0x48, v5;
	v21 =	vld.idx.msk [tilespmem:v21+s11+$0x0], $0xffff;
	v29 =	vor.u32 v11, v29;
	[tilespmem:s29+$0x0] =	vst v7  }
0x33: {  	v7 =	vmul.u32 $0x48, v20;
	v5 =	vadd.s32 v4, v15;
	v20 =	vadd.s32 v4, v8;
	[tilespmem:s21+$0x0] =	vst v19;
	v12 =	vld.idx.msk [tilespmem:v12+s11+$0x0], $0xffff  }
0x34: {  	v19 =	vor.u32 v18, v5;
	v20 =	vor.u32 v9, v20;
	v25 =	vld.idx.msk [tilespmem:v25+s11+$0x0], $0xffff;
	v5 =	vadd.s32 v2, v16  }
0x35: {  	v30 =	vadd.s32 v6, v10;
	v32 =	vor.u32 v17, v5;
	v5 =	vmul.u32 $0x48, v26  }
0x36: {  	v31 =	vadd.s32 v6, v15;
	v33 =	vadd.s32 v7, v10;
	v30 =	vor.u32 v11, v30;
	[tilespmem:s28+$0x10] =	vst v13  }
0x37: {  	v26 =	vor.u32 v11, v33;
	v10 =	vadd.s32 v5, v10;
	[tilespmem:s20+$0xFFFFFFD0] =	vst v21;
	v21 =	vld.idx.msk [tilespmem:v22+s11+$0x0], $0xffff  }
0x38: {  	v13 =	vadd.s32 v7, v15;
	v22 =	vld.idx.msk [tilespmem:v23+s11+$0x0], $0xffff;
	v23 =	vadd.s32 v6, v8;
	[tilespmem:s29+$0x10] =	vst v12  }
0x39: {  	v50 =	vor.u32 v18, v13;
	[tilespmem:s21+$0x10] =	vst v25;
	v13 =	vor.u32 v9, v23;
	v23 =	vld.idx.msk [tilespmem:v24+s11+$0x0], $0xffff  }
0x3a: {  	v11 =	vor.u32 v11, v10;
	v10 =	vadd.s32 v5, v15;
	v15 =	vld.idx.msk [tilespmem:v32+s11+$0x0], $0xffff;
	v24 =	vadd.s32 v3, v16  }
0x3b: {  	v31 =	vor.u32 v18, v31;
	v12 =	vor.u32 v18, v10;
	v10 =	vor.u32 v17, v24  }
0x3c: {  	v25 =	vadd.s32 v7, v8;
	v8 =	vadd.s32 v5, v8;
	v18 =	vadd.s32 v7, v16;
	[tilespmem:s28+$0x20] =	vst v21  }
0x3d: {  	v25 =	vor.u32 v9, v25;
	v8 =	vor.u32 v9, v8;
	[tilespmem:s20+$0xFFFFFFE0] =	vst v22;
	v9 =	vld.idx.msk [tilespmem:v27+s11+$0x0], $0xffff  }
0x3e: {  	s24 =	simm.s32 $0x6;
	v24 =	vor.u32 v17, v18;
	v18 =	vld.idx.msk [tilespmem:v28+s11+$0x0], $0xffff;
	[tilespmem:s29+$0x20] =	vst v23  }
0x3f: {  	s23 =	simm.s32 $0x5;
	v35 =	vmov s24;
	v21 =	vadd.s32 v4, v16;
	v22 =	vadd.s32 v6, v16;
	[tilespmem:s21+$0x20] =	vst v15;
	v14 =	vld.idx.msk [tilespmem:v14+s11+$0x0], $0xffff  }
0x40: {  	s0 =	simm.s32 $0x4;
	s25 =	simm.s32 $0x7;
	v15 =	vor.u32 v17, v21;
	v21 =	vor.u32 v17, v22;
	v22 =	vmov s23;
	v10 =	vld.idx.msk [tilespmem:v10+s11+$0x0], $0xffff  }
0x41: {  	v36 =	vmov s25;
	v23 =	vmov s0;
	v51 =	vand.u32 $0x38, v22  }
0x42: {  	v27 =	vand.u32 $0x38, v23;
	v34 =	vand.u32 $0x5, v22;
	v22 =	vadd.s32 v0, v51;
	[tilespmem:s28+$0x30] =	vst v9  }
0x43: {  	v28 =	vand.u32 $0x4, v23;
	v23 =	vadd.s32 v0, v27;
	v22 =	vor.u32 v34, v22;
	[tilespmem:s20+$0xFFFFFFF0] =	vst v18  }
0x44: {  	v16 =	vadd.s32 v5, v16;
	v23 =	vor.u32 v28, v23;
	v9 =	vand.u32 $0x38, v35;
	v18 =	vld.idx.msk [tilespmem:v29+s11+$0x0], $0xffff;
	[tilespmem:s29+$0x30] =	vst v14  }
0x45: {  	v39 =	vadd.s32 v1, v27;
	v20 =	vld.idx.msk [tilespmem:v20+s11+$0x0], $0xffff;
	v38 =	vadd.s32 v0, v9;
	[tilespmem:s21+$0x30] =	vst v10;
	v10 =	vand.u32 $0x6, v35  }
0x46: {  	v40 =	vadd.s32 v2, v51;
	v29 =	vand.u32 $0x38, v36;
	v19 =	vld.idx.msk [tilespmem:v19+s11+$0x0], $0xffff;
	v38 =	vor.u32 v10, v38  }
0x47: {  	v56 =	vadd.s32 v3, v51;
	v36 =	vand.u32 $0x7, v36;
	v37 =	vadd.s32 v0, v29;
	v15 =	vld.idx.msk [tilespmem:v15+s11+$0x0], $0xffff  }
0x48: {  	v57 =	vadd.s32 v7, v51;
	v53 =	vor.u32 v34, v40;
	v37 =	vor.u32 v36, v37;
	v22 =	vld.idx.msk [tilespmem:v22+s11+$0x0], $0xffff  }
0x49: {  	s26 =	simm.s32 $0x200;
	v40 =	vor.u32 v34, v56;
	v14 =	vadd.s32 v1, v51;
	[tilespmem:s28+$0x40] =	vst v18;
	v18 =	vld.idx.msk [tilespmem:v23+s11+$0x0], $0xffff  }
0x4a: {  	s22 =	sand.u32 $0x1C00, s26;
	s31 =	simm.s32 $0x280;
	v14 =	vor.u32 v34, v14;
	v52 =	vadd.s32 v1, v29;
	[tilespmem:s20+$0x0] =	vst v20;
	v30 =	vld.idx.msk [tilespmem:v30+s11+$0x0], $0xffff  }
0x4b: {  	s26 =	sadd.s32 $0x17D40, s22;
	s23 =	sand.u32 $0x280, s31;
	v54 =	vadd.s32 v2, v29;
	v42 =	vadd.s32 v3, v29;
	[tilespmem:s29+$0x40] =	vst v19;
	v38 =	vld.idx.msk [tilespmem:v38+s11+$0x0], $0xffff  }
0x4c: {  	s23 =	sor.u32 s23, s26;
	v23 =	vor.u32 v28, v39;
	v20 =	vadd.s32 v2, v27;
	[tilespmem:s21+$0x40] =	vst v15;
	v59 =	vld.idx.msk [tilespmem:v13+s11+$0x0], $0xffff  }
0x4d: {  	s30 =	simm.s32 $0x300;
	s25 =	simm.s32 $0x380;
	s22 =	simm.s32 $0x17F80;
	v41 =	vor.u32 v28, v20;
	v15 =	vadd.s32 v1, v9;
	v20 =	vld.idx.msk [tilespmem:v37+s11+$0x0], $0xffff;
	[tilespmem:s23+$0x0] =	vst v22  }
0x4e: {  	s30 =	sand.u32 $0x300, s30;
	s24 =	sand.u32 $0x380, s25;
	v35 =	vor.u32 v36, v52;
	v31 =	vld.idx.msk [tilespmem:v31+s11+$0x0], $0xffff;
	v15 =	vor.u32 v10, v15;
	[tilespmem:s22+$0xFFFFFFC0] =	vst v18  }
0x4f: {  	s24 =	sadd.s32 s24, s26;
	s26 =	sadd.s32 s30, s26;
	v55 =	vor.u32 v36, v54;
	v42 =	vor.u32 v36, v42;
	v43 =	vld.idx.msk [tilespmem:v21+s11+$0x0], $0xffff;
	[tilespmem:s28+$0x50] =	vst v30  }
0x50: {  	v19 =	vadd.s32 v3, v27;
	v13 =	vadd.s32 v7, v29;
	v14 =	vld.idx.msk [tilespmem:v14+s11+$0x0], $0xffff;
	[tilespmem:s26+$0x0] =	vst v38  }
0x51: {  	v44 =	vor.u32 v28, v19;
	v18 =	vadd.s32 v4, v51;
	v45 =	vld.idx.msk [tilespmem:v23+s11+$0x0], $0xffff;
	[tilespmem:s20+$0x10] =	vst v59  }
0x52: {  	v19 =	vadd.s32 v4, v27;
	v22 =	vor.u32 v34, v18;
	[tilespmem:s24+$0x0] =	vst v20;
	v26 =	vld.idx.msk [tilespmem:v26+s11+$0x0], $0xffff  }
0x53: {  	v18 =	vadd.s32 v4, v29;
	[tilespmem:s29+$0x50] =	vst v31;
	v58 =	vld.idx.msk [tilespmem:v15+s11+$0x0], $0xffff;
	v15 =	vadd.s32 v2, v9  }
0x54: {  	v23 =	vor.u32 v28, v19;
	[tilespmem:s21+$0x50] =	vst v43;
	v30 =	vld.idx.msk [tilespmem:v35+s11+$0x0], $0xffff;
	v61 =	vor.u32 v10, v15  }
0x55: {  	v21 =	vor.u32 v36, v18;
	v18 =	vadd.s32 v6, v51;
	v31 =	vld.idx.msk [tilespmem:v50+s11+$0x0], $0xffff;
	[tilespmem:s23+$0x10] =	vst v14  }
0x56: {  	v20 =	vor.u32 v34, v18;
	v18 =	vadd.s32 v6, v29;
	v60 =	vld.idx.msk [tilespmem:v53+s11+$0x0], $0xffff;
	[tilespmem:s22+$0xFFFFFFD0] =	vst v45  }
0x57: {  	v15 =	vor.u32 v36, v13;
	v13 =	vadd.s32 v5, v51;
	v41 =	vld.idx.msk [tilespmem:v41+s11+$0x0], $0xffff;
	[tilespmem:s28+$0x60] =	vst v26  }
0x58: {  	v19 =	vor.u32 v36, v18;
	v18 =	vadd.s32 v6, v27;
	[tilespmem:s26+$0x10] =	vst v58;
	v26 =	vld.idx.msk [tilespmem:v11+s11+$0x0], $0xffff  }
0x59: {  	v18 =	vor.u32 v28, v18;
	[tilespmem:s24+$0x10] =	vst v30;
	v11 =	vor.u32 v34, v13;
	v32 =	vld.idx.msk [tilespmem:v61+s11+$0x0], $0xffff  }
0x5a: {  	[tilespmem:s29+$0x60] =	vst v31;
	v13 =	vadd.s32 v5, v29;
	v29 =	vadd.s32 v7, v27;
	v62 =	vld.idx.msk [tilespmem:v55+s11+$0x0], $0xffff  }
0x5b: {  	v30 =	vadd.s32 v3, v9;
	v63 =	vld.idx.msk [tilespmem:v12+s11+$0x0], $0xffff;
	v12 =	vor.u32 v36, v13;
	v13 =	vor.u32 v28, v29  }
0x5c: {  	v29 =	vadd.s32 v5, v27;
	[tilespmem:s23+$0x20] =	vst v60;
	v27 =	vld.idx.msk [tilespmem:v25+s11+$0x0], $0xffff;
	v33 =	vor.u32 v10, v30  }
0x5d: {  	v25 =	vadd.s32 v7, v9;
	v28 =	vor.u32 v28, v29;
	v31 =	vld.idx.msk [tilespmem:v40+s11+$0x0], $0xffff;
	[tilespmem:s22+$0xFFFFFFE0] =	vst v41  }
0x5e: {  	v29 =	vor.u32 v17, v16;
	v16 =	vor.u32 v10, v25;
	v25 =	vld.idx.msk [tilespmem:v24+s11+$0x0], $0xffff;
	[tilespmem:s28+$0x70] =	vst v26  }
0x5f: {  	v14 =	vor.u32 v34, v57;
	v30 =	vld.idx.msk [tilespmem:v44+s11+$0x0], $0xffff;
	[tilespmem:s24+$0x20] =	vst v62  }
0x60: {  	s30 =	simm.s32 $0x8;
	v24 =	vadd.s32 v4, v9;
	v17 =	vadd.s32 v6, v9;
	s28 =	sshll.u32 s18, $0x1;
	[tilespmem:s29+$0x70] =	vst v63;
	v26 =	vld.idx.msk [tilespmem:v42+s11+$0x0], $0xffff  }
.LBB2_5:
0x61: {  	s29 =	sadd.s32 $0x1, s30  }
0x62: {  	v34 =	vmov s30;
	p1 =	slt.u32 s30, $0x3C;
	[tilespmem:s26+$0x20] =	vst v32;
	v32 =	vor.u32 v10, v24;
	v35 =	vor.u32 v10, v17;
	s31 =	smov.u32 s30;
	s30 =	sadd.s32 $0x4, s30  }
0x63: {  	v24 =	vand.u32 $0x38, v34;
	v17 =	vand.u32 $0x4, v34;
	v34 =	vmov s29;
	s29 =	sadd.s32 $0x2, s31;
	v33 =	vld.idx.msk [tilespmem:v33+s11+$0x0], $0xffff;
	[tilespmem:s20+$0x20] =	vst v27  }
0x64: {  	v36 =	vadd.s32 v0, v24;
	v27 =	vand.u32 $0x38, v34;
	v37 =	vmov s29;
	s29 =	sadd.s32 $0x3, s31;
	[tilespmem:s23+$0x30] =	vst v31;
	v31 =	vld.idx.msk [tilespmem:v8+s11+$0x0], $0xffff;
	v8 =	vmovc v28  }
0x65: {  	v28 =	vand.u32 $0x5, v34;
	v34 =	vadd.s32 v0, v27;
	v38 =	vmov s29;
	[tilespmem:s22+$0xFFFFFFF0] =	vst v30;
	v22 =	vld.idx.msk [tilespmem:v22+s11+$0x0], $0xffff  }
0x66: {  	v30 =	vor.u32 v17, v36;
	v34 =	vor.u32 v28, v34;
	v36 =	vand.u32 $0x38, v38;
	v23 =	vld.idx.msk [tilespmem:v23+s11+$0x0], $0xffff;
	[tilespmem:s21+$0x60] =	vst v25  }
0x67: {  	v25 =	vand.u32 $0x38, v37;
	v38 =	vand.u32 $0x7, v38;
	v39 =	vadd.s32 v0, v36;
	[tilespmem:s24+$0x30] =	vst v26;
	v29 =	vld.idx.msk [tilespmem:v29+s11+$0x0], $0xffff  }
0x68: {  	v26 =	vadd.s32 v1, v27;
	v40 =	vadd.s32 v0, v25;
	v39 =	vor.u32 v38, v39;
	v21 =	vld.idx.msk [tilespmem:v21+s11+$0x0], $0xffff  }
0x69: {  	v41 =	vor.u32 v28, v26;
	v26 =	vand.u32 $0x6, v37;
	v37 =	vadd.s32 v1, v36;
	[tilespmem:s26+$0x30] =	vst v33  }
0x6a: {  	v33 =	vor.u32 v26, v40;
	v37 =	vor.u32 v38, v37;
	v32 =	vld.idx.msk [tilespmem:v32+s11+$0x0], $0xffff;
	[tilespmem:s20+$0x30] =	vst v31;
	s20 =	smov.u32 s22  }
0x6b: {  	v40 =	vadd.s32 v2, v27;
	v31 =	vadd.s32 v1, v24;
	v34 =	vld.idx.msk [tilespmem:v34+s11+$0x0], $0xffff;
	[tilespmem:s23+$0x40] =	vst v22  }
0x6c: {  	s25 =	sadd.s32 $0x200, s25;
	v22 =	vld.idx.msk [tilespmem:v30+s11+$0x0], $0xffff;
	v30 =	vor.u32 v17, v31;
	v31 =	vor.u32 v28, v40;
	[tilespmem:s22+$0x0] =	vst v23  }
0x6d: {  	s29 =	sadd.s32 $0xFFFFFE80, s25;
	v23 =	vadd.s32 v2, v24;
	v40 =	vadd.s32 v2, v36;
	v20 =	vld.idx.msk [tilespmem:v20+s11+$0x0], $0xffff;
	[tilespmem:s21+$0x70] =	vst v29;
	s21 =	smov.u32 s26  }
0x6e: {  	s26 =	sand.u32 $0x1C00, s29;
	v29 =	vor.u32 v17, v23;
	s29 =	sadd.s32 $0xFFFFFF00, s25;
	v23 =	vld.idx.msk [tilespmem:v39+s11+$0x0], $0xffff;
	v39 =	vor.u32 v38, v40;
	[tilespmem:s24+$0x40] =	vst v21  }
0x6f: {  	v42 =	vadd.s32 v3, v36;
	s22 =	sadd.s32 $0x200, s22;
	v21 =	vadd.s32 v3, v24;
	s29 =	sand.u32 $0x280, s29;
	s26 =	sadd.s32 $0x17D40, s26;
	v40 =	vadd.s32 v3, v27;
	v19 =	vld.idx.msk [tilespmem:v19+s11+$0x0], $0xffff  }
0x70: {  	v42 =	vor.u32 v38, v42;
	s29 =	sor.u32 s29, s26;
	v40 =	vor.u32 v28, v40;
	v33 =	vld.idx.msk [tilespmem:v33+s11+$0x0], $0xffff;
	[tilespmem:s21+$0x40] =	vst v32  }
0x71: {  	v43 =	vor.u32 v17, v21;
	v21 =	vadd.s32 v1, v25;
	[tilespmem:s29+$0x0] =	vst v34;
	v32 =	vld.idx.msk [tilespmem:v35+s11+$0x0], $0xffff  }
0x72: {  	s31 =	sand.u32 $0x380, s25;
	v35 =	vor.u32 v26, v21;
	[tilespmem:s22+$0xFFFFFFC0] =	vst v22;
	v34 =	vld.idx.msk [tilespmem:v41+s11+$0x0], $0xffff;
	v22 =	vadd.s32 v4, v27  }
0x73: {  	s0 =	sadd.s32 $0xFFFFFF80, s25;
	s31 =	sadd.s32 s31, s26;
	v21 =	vadd.s32 v4, v36;
	v30 =	vld.idx.msk [tilespmem:v30+s11+$0x0], $0xffff;
	v22 =	vor.u32 v28, v22;
	[tilespmem:s23+$0x50] =	vst v20  }
0x74: {  	s0 =	sand.u32 $0x300, s0;
	v21 =	vor.u32 v38, v21;
	v20 =	vadd.s32 v4, v24;
	[tilespmem:s31+$0x0] =	vst v23;
	v41 =	vld.idx.msk [tilespmem:v14+s11+$0x0], $0xffff  }
0x75: {  	s26 =	sadd.s32 s0, s26;
	v23 =	vor.u32 v17, v20;
	v14 =	vadd.s32 v6, v27;
	v37 =	vld.idx.msk [tilespmem:v37+s11+$0x0], $0xffff;
	[tilespmem:s24+$0x50] =	vst v19  }
0x76: {  	v20 =	vor.u32 v28, v14;
	v14 =	vadd.s32 v6, v36;
	[tilespmem:s26+$0x0] =	vst v33;
	v33 =	vld.idx.msk [tilespmem:v15+s11+$0x0], $0xffff  }
0x77: {  	v15 =	vadd.s32 v7, v27;
	v19 =	vor.u32 v38, v14;
	v35 =	vld.idx.msk [tilespmem:v35+s11+$0x0], $0xffff;
	[tilespmem:s21+$0x50] =	vst v32  }
0x78: {  	v14 =	vor.u32 v28, v15;
	v15 =	vadd.s32 v2, v25;
	[tilespmem:s29+$0x10] =	vst v34;
	v34 =	vld.idx.msk [tilespmem:v18+s11+$0x0], $0xffff  }
0x79: {  	[tilespmem:s22+$0xFFFFFFD0] =	vst v30;
	v30 =	vld.idx.msk [tilespmem:v31+s11+$0x0], $0xffff;
	v31 =	vor.u32 v26, v15;
	v15 =	vadd.s32 v7, v36  }
0x7a: {  	v18 =	vadd.s32 v6, v24;
	v29 =	vld.idx.msk [tilespmem:v29+s11+$0x0], $0xffff;
	v15 =	vor.u32 v38, v15;
	[tilespmem:s23+$0x60] =	vst v41  }
0x7b: {  	v27 =	vadd.s32 v5, v27;
	v18 =	vor.u32 v17, v18;
	[tilespmem:s31+$0x10] =	vst v37;
	v37 =	vld.idx.msk [tilespmem:v11+s11+$0x0], $0xffff  }
0x7c: {  	v11 =	vor.u32 v28, v27;
	v27 =	vadd.s32 v5, v36;
	v39 =	vld.idx.msk [tilespmem:v39+s11+$0x0], $0xffff;
	[tilespmem:s24+$0x60] =	vst v33  }
0x7d: {  	v28 =	vadd.s32 v7, v24;
	[tilespmem:s26+$0x10] =	vst v35;
	v35 =	vld.idx.msk [tilespmem:v12+s11+$0x0], $0xffff;
	v12 =	vor.u32 v38, v27  }
0x7e: {  	v24 =	vadd.s32 v5, v24;
	v33 =	vor.u32 v17, v28;
	v32 =	vld.idx.msk [tilespmem:v31+s11+$0x0], $0xffff;
	[tilespmem:s20+$0x10] =	vst v34  }
.Ltmp1:
0x7f: {  	v28 =	vor.u32 v17, v24;
	v17 =	vadd.s32 v3, v25;
	[tilespmem:s29+$0x20] =	vst v30;
	v27 =	vld.idx.msk [tilespmem:v13+s11+$0x0], $0xffff;
	v13 =	vmov v33;
	(pc) =	sbr.rel @p1 .LBB2_5-.Ltmp1, $4  }
0x80: {  	v33 =	vor.u32 v26, v17;
	v17 =	vadd.s32 v5, v9;
	v9 =	vmov v25;
	[tilespmem:s22+$0xFFFFFFE0] =	vst v29;
	v31 =	vld.idx.msk [tilespmem:v40+s11+$0x0], $0xffff  }
0x81: {  	v24 =	vadd.s32 v7, v9;
	v29 =	vor.u32 v10, v17;
	v10 =	vmov v26;
	v30 =	vld.idx.msk [tilespmem:v43+s11+$0x0], $0xffff;
	[tilespmem:s23+$0x70] =	vst v37;
	s23 =	smov.u32 s29  }
0x82: {  	[tilespmem:s31+$0x20] =	vst v39;
	v25 =	vld.idx.msk [tilespmem:v16+s11+$0x0], $0xffff;
	v16 =	vor.u32 v10, v24  }
0x83: {  	v17 =	vadd.s32 v6, v9;
	v24 =	vadd.s32 v4, v9;
	v26 =	vld.idx.msk [tilespmem:v42+s11+$0x0], $0xffff;
	[tilespmem:s24+$0x70] =	vst v35;
	s24 =	smov.u32 s31  }
0x84: {  	_ =	sdelay $0x2  }
0x85: {  	[tilespmem:s26+$0x20] =	vst v32  }
0x86: {  	v0 =	vld.idx.msk [tilespmem:v33+s11+$0x0], $0xffff  }
0x87: {  	v1 =	vor.u32 v10, v24  }
0x88: {  	[tilespmem:s23+$0x30] =	vst v31  }
0x89: {  	v2 =	vld.idx.msk [tilespmem:v22+s11+$0x0], $0xffff;
	[tilespmem:s24+$0x30] =	vst v26  }
0x8a: {  	[tilespmem:s22+$0xFFFFFFF0] =	vst v30;
	v3 =	vld.idx.msk [tilespmem:v21+s11+$0x0], $0xffff  }
0x8b: {  	v4 =	vld.idx.msk [tilespmem:v23+s11+$0x0], $0xffff;
	[tilespmem:s26+$0x30] =	vst v0  }
0x8c: {  	v0 =	vld.idx.msk [tilespmem:v1+s11+$0x0], $0xffff  }
0x8d: {  	v1 =	vor.u32 v10, v17  }
0x8e: {  	[tilespmem:s23+$0x40] =	vst v2  }
0x8f: {  	v2 =	vld.idx.msk [tilespmem:v20+s11+$0x0], $0xffff;
	[tilespmem:s24+$0x40] =	vst v3  }
0x90: {  	[tilespmem:s22+$0x0] =	vst v4;
	v3 =	vld.idx.msk [tilespmem:v19+s11+$0x0], $0xffff  }
0x91: {  	[tilespmem:s26+$0x40] =	vst v0;
	v0 =	vld.idx.msk [tilespmem:v18+s11+$0x0], $0xffff  }
0x92: {  	v1 =	vld.idx.msk [tilespmem:v1+s11+$0x0], $0xffff;
	_ =	sdelay $0x1  }
0x93: {  	[tilespmem:s23+$0x50] =	vst v2  }
0x94: {  	v2 =	vld.idx.msk [tilespmem:v14+s11+$0x0], $0xffff;
	[tilespmem:s24+$0x50] =	vst v3  }
0x95: {  	v3 =	vld.idx.msk [tilespmem:v15+s11+$0x0], $0xffff;
	[tilespmem:s22+$0x10] =	vst v0  }
0x96: {  	[tilespmem:s26+$0x50] =	vst v1;
	v0 =	vld.idx.msk [tilespmem:v13+s11+$0x0], $0xffff  }
0x97: {  	[tilespmem:s21+$0x60] =	vst v25;
	v1 =	vadd.s32 v5, v9;
	v4 =	vld.idx.msk [tilespmem:v16+s11+$0x0], $0xffff  }
0x98: {  	[tilespmem:s20+$0x20] =	vst v27;
	v6 =	vld.idx.msk [tilespmem:v29+s11+$0x0], $0xffff;
	v1 =	vor.u32 v10, v1  }
0x99: {  	v5 =	vld.idx.msk [tilespmem:v8+s11+$0x0], $0xffff;
	[tilespmem:s23+$0x60] =	vst v2  }
0x9a: {  	v2 =	vld.idx.msk [tilespmem:v11+s11+$0x0], $0xffff;
	[tilespmem:s24+$0x60] =	vst v3  }
0x9b: {  	v3 =	vld.idx.msk [tilespmem:v12+s11+$0x0], $0xffff;
	[tilespmem:s22+$0x20] =	vst v0  }
0x9c: {  	v0 =	vld.idx.msk [tilespmem:v28+s11+$0x0], $0xffff;
	[tilespmem:s26+$0x60] =	vst v4  }
0x9d: {  	[tilespmem:s21+$0x70] =	vst v6;
	v1 =	vld.idx.msk [tilespmem:v1+s11+$0x0], $0xffff  }
0x9e: {  	[tilespmem:s20+$0x30] =	vst v5  }
0x9f: {  	s0 =	sshll.u32 s18, $0x13;
	[tilespmem:s23+$0x70] =	vst v2  }
0xa0: {  	s0 =	sor.u32 s4, s0;
	[tilespmem:s24+$0x70] =	vst v3  }
0xa1: {  	s0 =	sshrl.u32 s0, $0x3;
	[tilespmem:s22+$0x30] =	vst v0  }
0xa2: {  	s0 =	sadd.s32 s2, s0;
	[tilespmem:s26+$0x70] =	vst v1  }
0xa3: {  	[hbm4b:s0+s9] =	stream.strided.scatter [tilespmem:s12], [sflag:$0x1], $0x2000, s10, s9, $0x38;
	[tilespmem:$0x1BD40] =	vst v63  }
0xa4: {  	s20 =	sor.u32 $0x1, s28;
	s0 =	simm.s32 @!p0 $0x2  }
0xa5: {  	s25 =	sshll.u32 s20, $0x7;
	_ =	swait.ge @!p0 [sflag:s0], $0x2000  }
0xa6: {  	s19 =	sand.u32 $0x7C00, s19;
	s21 =	sand.u32 $0x380, s25;
	[sflag:s0] =	ssyncset.done @!p0 $0x0  }
0xa7: {  	s26 =	sadd.s32 s21, s19;
	[sflag:s0] =	ssyncadd.s32 @!p0 $0xFFFFE000  }
0xa8: {  	v0 =	vld [tilespmem:s26+$0x0];
	_ =	sdelay $0x1  }
0xa9: {  	s29 =	simm.s32 $0x0  }
0xaa: {  	s31 =	simm.s32 $0x2;
	v2 =	vmov s29  }
0xab: {  	s30 =	simm.s32 $0x1;
	v5 =	vmov s31;
	v8 =	vand.u32 $0x38, v2;
	v1 =	vld [tilespmem:s26+$0x10]  }
0xac: {  	v9 =	vand.u32 $0x4, v2;
	v2 =	vmov s30;
	s21 =	simm.s32 $0x3;
	v0 =	vmul.u32 $0x48, v0  }
0xad: {  	v15 =	vand.u32 $0x38, v5;
	v10 =	vand.u32 $0x38, v2;
	v7 =	vmov s21  }
0xae: {  	v11 =	vand.u32 $0x5, v2;
	v16 =	vand.u32 $0x38, v7;
	v3 =	vld [tilespmem:s26+$0x20];
	v2 =	vadd.s32 v0, v10  }
0xaf: {  	v18 =	vand.u32 $0x7, v7;
	v6 =	vld [tilespmem:s26+$0x30];
	v4 =	vadd.s32 v0, v8;
	v14 =	vor.u32 v11, v2  }
0xb0: {  	v12 =	vld [tilespmem:s26+$0x40];
	v1 =	vmul.u32 $0x48, v1;
	v13 =	vor.u32 v9, v4;
	v2 =	vadd.s32 v0, v16  }
0xb1: {  	v17 =	vand.u32 $0x6, v5;
	v4 =	vadd.s32 v0, v15;
	v7 =	vor.u32 v18, v2  }
0xb2: {  	v5 =	vld [tilespmem:s26+$0x50];
	v21 =	vadd.s32 v1, v8;
	v19 =	vor.u32 v17, v4  }
0xb3: {  	v20 =	vld [tilespmem:s26+$0x60];
	v25 =	vadd.s32 v1, v15;
	v21 =	vor.u32 v9, v21  }
0xb4: {  	v2 =	vmul.u32 $0x48, v3;
	v3 =	vmul.u32 $0x48, v6;
	v6 =	vadd.s32 v1, v10;
	v14 =	vld.idx.msk [tilespmem:v14+s11+$0x0], $0xffff  }
0xb5: {  	s22 =	simm.s32 $0x0;
	v4 =	vmul.u32 $0x48, v12;
	v12 =	vadd.s32 v1, v16;
	v6 =	vor.u32 v11, v6;
	v13 =	vld.idx.msk [tilespmem:v13+s11+$0x0], $0xffff  }
0xb6: {  	s23 =	simm.s32 $0x80;
	s19 =	sand.u32 $0x1C00, s22;
	v25 =	vor.u32 v17, v25;
	v12 =	vor.u32 v18, v12;
	v22 =	vadd.s32 v2, v10;
	v7 =	vld.idx.msk [tilespmem:v7+s11+$0x0], $0xffff  }
0xb7: {  	s21 =	sand.u32 $0x280, s23;
	s24 =	sadd.s32 $0x17D40, s19;
	v23 =	vadd.s32 v2, v8;
	v24 =	vadd.s32 v2, v16;
	v27 =	vadd.s32 v3, v10;
	v19 =	vld.idx.msk [tilespmem:v19+s11+$0x0], $0xffff  }
0xb8: {  	s25 =	simm.s32 $0x180;
	s28 =	sor.u32 s21, s24;
	v28 =	vadd.s32 v3, v8;
	v29 =	vadd.s32 v3, v16;
	v22 =	vor.u32 v11, v22  }
0xb9: {  	s19 =	simm.s32 $0x19DB0;
	s0 =	sand.u32 $0x380, s25;
	v26 =	vld [tilespmem:s26+$0x70];
	s26 =	simm.s32 $0x100;
	v23 =	vor.u32 v9, v23;
	v24 =	vor.u32 v18, v24;
	v27 =	vor.u32 v11, v27;
	[tilespmem:s28+$0x2000] =	vst v14  }
0xba: {  	s29 =	sadd.s32 s0, s24;
	s30 =	sand.u32 $0x300, s26;
	v14 =	vor.u32 v18, v29;
	[tilespmem:s19+$0xFFFFFF90] =	vst v13;
	v29 =	vadd.s32 v4, v10;
	v13 =	vld.idx.msk [tilespmem:v6+s11+$0x0], $0xffff  }
0xbb: {  	s21 =	sadd.s32 s30, s24;
	v28 =	vor.u32 v9, v28;
	v6 =	vmul.u32 $0x48, v5;
	v21 =	vld.idx.msk [tilespmem:v21+s11+$0x0], $0xffff;
	v29 =	vor.u32 v11, v29;
	[tilespmem:s29+$0x2000] =	vst v7  }
0xbc: {  	v7 =	vmul.u32 $0x48, v20;
	v5 =	vadd.s32 v4, v16;
	v20 =	vadd.s32 v4, v8;
	[tilespmem:s21+$0x2000] =	vst v19;
	v12 =	vld.idx.msk [tilespmem:v12+s11+$0x0], $0xffff  }
0xbd: {  	v19 =	vor.u32 v18, v5;
	v20 =	vor.u32 v9, v20;
	v25 =	vld.idx.msk [tilespmem:v25+s11+$0x0], $0xffff;
	v5 =	vadd.s32 v2, v15  }
0xbe: {  	v30 =	vadd.s32 v6, v10;
	v48 =	vor.u32 v17, v5;
	v5 =	vmul.u32 $0x48, v26  }
0xbf: {  	v31 =	vadd.s32 v6, v16;
	v49 =	vadd.s32 v7, v10;
	v30 =	vor.u32 v11, v30;
	[tilespmem:s28+$0x2010] =	vst v13  }
0xc0: {  	v26 =	vor.u32 v11, v49;
	v10 =	vadd.s32 v5, v10;
	[tilespmem:s19+$0xFFFFFFA0] =	vst v21;
	v21 =	vld.idx.msk [tilespmem:v22+s11+$0x0], $0xffff  }
0xc1: {  	v13 =	vadd.s32 v7, v16;
	v22 =	vld.idx.msk [tilespmem:v23+s11+$0x0], $0xffff;
	v23 =	vadd.s32 v6, v8;
	[tilespmem:s29+$0x2010] =	vst v12  }
0xc2: {  	v50 =	vor.u32 v18, v13;
	[tilespmem:s21+$0x2010] =	vst v25;
	v13 =	vor.u32 v9, v23;
	v23 =	vld.idx.msk [tilespmem:v24+s11+$0x0], $0xffff  }
0xc3: {  	v11 =	vor.u32 v11, v10;
	v10 =	vadd.s32 v5, v16;
	v16 =	vld.idx.msk [tilespmem:v48+s11+$0x0], $0xffff;
	v24 =	vadd.s32 v3, v15  }
0xc4: {  	v31 =	vor.u32 v18, v31;
	v12 =	vor.u32 v18, v10;
	v10 =	vor.u32 v17, v24  }
0xc5: {  	v25 =	vadd.s32 v7, v8;
	v8 =	vadd.s32 v5, v8;
	v18 =	vadd.s32 v7, v15;
	[tilespmem:s28+$0x2020] =	vst v21  }
0xc6: {  	v25 =	vor.u32 v9, v25;
	v8 =	vor.u32 v9, v8;
	[tilespmem:s19+$0xFFFFFFB0] =	vst v22;
	v9 =	vld.idx.msk [tilespmem:v27+s11+$0x0], $0xffff  }
0xc7: {  	s23 =	simm.s32 $0x6;
	v24 =	vor.u32 v17, v18;
	v18 =	vld.idx.msk [tilespmem:v28+s11+$0x0], $0xffff;
	[tilespmem:s29+$0x2020] =	vst v23  }
0xc8: {  	s22 =	simm.s32 $0x5;
	v35 =	vmov s23;
	v21 =	vadd.s32 v4, v15;
	v22 =	vadd.s32 v6, v15;
	[tilespmem:s21+$0x2020] =	vst v16;
	v14 =	vld.idx.msk [tilespmem:v14+s11+$0x0], $0xffff  }
0xc9: {  	s31 =	simm.s32 $0x4;
	s24 =	simm.s32 $0x7;
	v16 =	vor.u32 v17, v21;
	v21 =	vor.u32 v17, v22;
	v22 =	vmov s22;
	v10 =	vld.idx.msk [tilespmem:v10+s11+$0x0], $0xffff  }
0xca: {  	v36 =	vmov s24;
	v23 =	vmov s31;
	v51 =	vand.u32 $0x38, v22  }
0xcb: {  	v27 =	vand.u32 $0x38, v23;
	v34 =	vand.u32 $0x5, v22;
	v22 =	vadd.s32 v0, v51;
	[tilespmem:s28+$0x2030] =	vst v9  }
0xcc: {  	v28 =	vand.u32 $0x4, v23;
	v23 =	vadd.s32 v0, v27;
	v22 =	vor.u32 v34, v22;
	[tilespmem:s19+$0xFFFFFFC0] =	vst v18  }
0xcd: {  	v15 =	vadd.s32 v5, v15;
	v23 =	vor.u32 v28, v23;
	v9 =	vand.u32 $0x38, v35;
	v18 =	vld.idx.msk [tilespmem:v29+s11+$0x0], $0xffff;
	[tilespmem:s29+$0x2030] =	vst v14  }
0xce: {  	v39 =	vadd.s32 v1, v27;
	v20 =	vld.idx.msk [tilespmem:v20+s11+$0x0], $0xffff;
	v38 =	vadd.s32 v0, v9;
	[tilespmem:s21+$0x2030] =	vst v10;
	v10 =	vand.u32 $0x6, v35  }
0xcf: {  	v40 =	vadd.s32 v2, v51;
	v29 =	vand.u32 $0x38, v36;
	v19 =	vld.idx.msk [tilespmem:v19+s11+$0x0], $0xffff;
	v38 =	vor.u32 v10, v38  }
0xd0: {  	v56 =	vadd.s32 v3, v51;
	v36 =	vand.u32 $0x7, v36;
	v37 =	vadd.s32 v0, v29;
	v16 =	vld.idx.msk [tilespmem:v16+s11+$0x0], $0xffff  }
0xd1: {  	v57 =	vadd.s32 v7, v51;
	v53 =	vor.u32 v34, v40;
	v37 =	vor.u32 v36, v37;
	v22 =	vld.idx.msk [tilespmem:v22+s11+$0x0], $0xffff  }
0xd2: {  	s25 =	simm.s32 $0x200;
	v40 =	vor.u32 v34, v56;
	v14 =	vadd.s32 v1, v51;
	[tilespmem:s28+$0x2040] =	vst v18;
	v18 =	vld.idx.msk [tilespmem:v23+s11+$0x0], $0xffff  }
0xd3: {  	s0 =	sand.u32 $0x1C00, s25;
	s26 =	simm.s32 $0x280;
	v14 =	vor.u32 v34, v14;
	v52 =	vadd.s32 v1, v29;
	[tilespmem:s19+$0xFFFFFFD0] =	vst v20;
	v30 =	vld.idx.msk [tilespmem:v30+s11+$0x0], $0xffff  }
0xd4: {  	s0 =	sadd.s32 $0x17D40, s0;
	s22 =	sand.u32 $0x280, s26;
	v54 =	vadd.s32 v2, v29;
	v42 =	vadd.s32 v3, v29;
	[tilespmem:s29+$0x2040] =	vst v19;
	v38 =	vld.idx.msk [tilespmem:v38+s11+$0x0], $0xffff  }
0xd5: {  	s23 =	sor.u32 s22, s0;
	v23 =	vor.u32 v28, v39;
	v20 =	vadd.s32 v2, v27;
	[tilespmem:s21+$0x2040] =	vst v16;
	v59 =	vld.idx.msk [tilespmem:v13+s11+$0x0], $0xffff  }
0xd6: {  	s31 =	simm.s32 $0x300;
	s22 =	simm.s32 $0x19FB0;
	v41 =	vor.u32 v28, v20;
	v16 =	vadd.s32 v1, v9;
	v20 =	vld.idx.msk [tilespmem:v37+s11+$0x0], $0xffff;
	[tilespmem:s23+$0x2000] =	vst v22  }
0xd7: {  	s26 =	sand.u32 $0x300, s31;
	v35 =	vor.u32 v36, v52;
	v31 =	vld.idx.msk [tilespmem:v31+s11+$0x0], $0xffff;
	v16 =	vor.u32 v10, v16;
	[tilespmem:s22+$0xFFFFFF90] =	vst v18  }
0xd8: {  	s25 =	simm.s32 $0x380;
	s26 =	sadd.s32 s26, s0;
	v55 =	vor.u32 v36, v54;
	v42 =	vor.u32 v36, v42;
	v43 =	vld.idx.msk [tilespmem:v21+s11+$0x0], $0xffff;
	[tilespmem:s28+$0x2050] =	vst v30  }
0xd9: {  	s30 =	sand.u32 $0x380, s25;
	v19 =	vadd.s32 v3, v27;
	v13 =	vadd.s32 v7, v29;
	v14 =	vld.idx.msk [tilespmem:v14+s11+$0x0], $0xffff;
	[tilespmem:s26+$0x2000] =	vst v38  }
0xda: {  	s24 =	sadd.s32 s30, s0;
	v44 =	vor.u32 v28, v19;
	v18 =	vadd.s32 v4, v51;
	v45 =	vld.idx.msk [tilespmem:v23+s11+$0x0], $0xffff;
	[tilespmem:s19+$0xFFFFFFE0] =	vst v59  }
0xdb: {  	v19 =	vadd.s32 v4, v27;
	v22 =	vor.u32 v34, v18;
	[tilespmem:s24+$0x2000] =	vst v20;
	v26 =	vld.idx.msk [tilespmem:v26+s11+$0x0], $0xffff  }
0xdc: {  	v18 =	vadd.s32 v4, v29;
	[tilespmem:s29+$0x2050] =	vst v31;
	v58 =	vld.idx.msk [tilespmem:v16+s11+$0x0], $0xffff;
	v16 =	vadd.s32 v2, v9  }
0xdd: {  	v23 =	vor.u32 v28, v19;
	[tilespmem:s21+$0x2050] =	vst v43;
	v30 =	vld.idx.msk [tilespmem:v35+s11+$0x0], $0xffff;
	v61 =	vor.u32 v10, v16  }
0xde: {  	v21 =	vor.u32 v36, v18;
	v18 =	vadd.s32 v6, v51;
	v31 =	vld.idx.msk [tilespmem:v50+s11+$0x0], $0xffff;
	[tilespmem:s23+$0x2010] =	vst v14  }
0xdf: {  	v20 =	vor.u32 v34, v18;
	v18 =	vadd.s32 v6, v29;
	v60 =	vld.idx.msk [tilespmem:v53+s11+$0x0], $0xffff;
	[tilespmem:s22+$0xFFFFFFA0] =	vst v45  }
0xe0: {  	v16 =	vor.u32 v36, v13;
	v13 =	vadd.s32 v5, v51;
	v41 =	vld.idx.msk [tilespmem:v41+s11+$0x0], $0xffff;
	[tilespmem:s28+$0x2060] =	vst v26  }
0xe1: {  	v19 =	vor.u32 v36, v18;
	v18 =	vadd.s32 v6, v27;
	[tilespmem:s26+$0x2010] =	vst v58;
	v26 =	vld.idx.msk [tilespmem:v11+s11+$0x0], $0xffff  }
0xe2: {  	v18 =	vor.u32 v28, v18;
	[tilespmem:s24+$0x2010] =	vst v30;
	v11 =	vor.u32 v34, v13;
	v32 =	vld.idx.msk [tilespmem:v61+s11+$0x0], $0xffff  }
0xe3: {  	[tilespmem:s29+$0x2060] =	vst v31;
	v13 =	vadd.s32 v5, v29;
	v29 =	vadd.s32 v7, v27;
	v62 =	vld.idx.msk [tilespmem:v55+s11+$0x0], $0xffff  }
0xe4: {  	v30 =	vadd.s32 v3, v9;
	v63 =	vld.idx.msk [tilespmem:v12+s11+$0x0], $0xffff;
	v12 =	vor.u32 v36, v13;
	v13 =	vor.u32 v28, v29  }
0xe5: {  	v29 =	vadd.s32 v5, v27;
	[tilespmem:s23+$0x2020] =	vst v60;
	v27 =	vld.idx.msk [tilespmem:v25+s11+$0x0], $0xffff;
	v33 =	vor.u32 v10, v30  }
0xe6: {  	v25 =	vadd.s32 v7, v9;
	v28 =	vor.u32 v28, v29;
	v31 =	vld.idx.msk [tilespmem:v40+s11+$0x0], $0xffff;
	[tilespmem:s22+$0xFFFFFFB0] =	vst v41  }
0xe7: {  	v29 =	vor.u32 v17, v15;
	v15 =	vor.u32 v10, v25;
	v25 =	vld.idx.msk [tilespmem:v24+s11+$0x0], $0xffff;
	[tilespmem:s28+$0x2070] =	vst v26  }
0xe8: {  	v14 =	vor.u32 v34, v57;
	v30 =	vld.idx.msk [tilespmem:v44+s11+$0x0], $0xffff;
	[tilespmem:s24+$0x2020] =	vst v62  }
0xe9: {  	v24 =	vadd.s32 v4, v9;
	v17 =	vadd.s32 v6, v9;
	s28 =	simm.s32 $0x8;
	[tilespmem:s29+$0x2070] =	vst v63;
	v26 =	vld.idx.msk [tilespmem:v42+s11+$0x0], $0xffff  }
.LBB2_7:
0xea: {  	s0 =	sadd.s32 $0x1, s28  }
0xeb: {  	v34 =	vmov s28;
	p0 =	slt.u32 s28, $0x3C;
	[tilespmem:s26+$0x2020] =	vst v32;
	v32 =	vor.u32 v10, v24;
	v35 =	vor.u32 v10, v17;
	s29 =	smov.u32 s28;
	s28 =	sadd.s32 $0x4, s28  }
0xec: {  	v24 =	vand.u32 $0x38, v34;
	v17 =	vand.u32 $0x4, v34;
	v34 =	vmov s0;
	s0 =	sadd.s32 $0x2, s29;
	v33 =	vld.idx.msk [tilespmem:v33+s11+$0x0], $0xffff;
	[tilespmem:s19+$0xFFFFFFF0] =	vst v27  }
0xed: {  	v36 =	vadd.s32 v0, v24;
	v27 =	vand.u32 $0x38, v34;
	v37 =	vmov s0;
	s0 =	sadd.s32 $0x3, s29;
	[tilespmem:s23+$0x2030] =	vst v31;
	v31 =	vld.idx.msk [tilespmem:v8+s11+$0x0], $0xffff;
	v8 =	vmovc v28  }
0xee: {  	v28 =	vand.u32 $0x5, v34;
	v34 =	vadd.s32 v0, v27;
	v38 =	vmov s0;
	[tilespmem:s22+$0xFFFFFFC0] =	vst v30;
	v22 =	vld.idx.msk [tilespmem:v22+s11+$0x0], $0xffff  }
0xef: {  	v30 =	vor.u32 v17, v36;
	v34 =	vor.u32 v28, v34;
	v36 =	vand.u32 $0x38, v38;
	v23 =	vld.idx.msk [tilespmem:v23+s11+$0x0], $0xffff;
	[tilespmem:s21+$0x2060] =	vst v25  }
0xf0: {  	v25 =	vand.u32 $0x38, v37;
	v38 =	vand.u32 $0x7, v38;
	v39 =	vadd.s32 v0, v36;
	[tilespmem:s24+$0x2030] =	vst v26;
	v29 =	vld.idx.msk [tilespmem:v29+s11+$0x0], $0xffff  }
0xf1: {  	v26 =	vadd.s32 v1, v27;
	v40 =	vadd.s32 v0, v25;
	v39 =	vor.u32 v38, v39;
	v21 =	vld.idx.msk [tilespmem:v21+s11+$0x0], $0xffff  }
0xf2: {  	v41 =	vor.u32 v28, v26;
	v26 =	vand.u32 $0x6, v37;
	v37 =	vadd.s32 v1, v36;
	[tilespmem:s26+$0x2030] =	vst v33  }
0xf3: {  	v33 =	vor.u32 v26, v40;
	v37 =	vor.u32 v38, v37;
	v32 =	vld.idx.msk [tilespmem:v32+s11+$0x0], $0xffff;
	[tilespmem:s19+$0x0] =	vst v31;
	s19 =	smov.u32 s22  }
0xf4: {  	v40 =	vadd.s32 v2, v27;
	v31 =	vadd.s32 v1, v24;
	v34 =	vld.idx.msk [tilespmem:v34+s11+$0x0], $0xffff;
	[tilespmem:s23+$0x2040] =	vst v22  }
0xf5: {  	s25 =	sadd.s32 $0x200, s25;
	v22 =	vld.idx.msk [tilespmem:v30+s11+$0x0], $0xffff;
	v30 =	vor.u32 v17, v31;
	v31 =	vor.u32 v28, v40;
	[tilespmem:s22+$0xFFFFFFD0] =	vst v23  }
0xf6: {  	s0 =	sadd.s32 $0xFFFFFE80, s25;
	v23 =	vadd.s32 v2, v24;
	v40 =	vadd.s32 v2, v36;
	v20 =	vld.idx.msk [tilespmem:v20+s11+$0x0], $0xffff;
	[tilespmem:s21+$0x2070] =	vst v29;
	s21 =	smov.u32 s26  }
0xf7: {  	s0 =	sand.u32 $0x1C00, s0;
	v29 =	vor.u32 v17, v23;
	s26 =	sadd.s32 $0xFFFFFF00, s25;
	v23 =	vld.idx.msk [tilespmem:v39+s11+$0x0], $0xffff;
	v39 =	vor.u32 v38, v40;
	[tilespmem:s24+$0x2040] =	vst v21  }
0xf8: {  	s0 =	sadd.s32 $0x17D40, s0;
	v42 =	vadd.s32 v3, v36;
	s22 =	sadd.s32 $0x200, s22;
	v21 =	vadd.s32 v3, v24;
	s26 =	sand.u32 $0x280, s26;
	v40 =	vadd.s32 v3, v27;
	v19 =	vld.idx.msk [tilespmem:v19+s11+$0x0], $0xffff  }
0xf9: {  	v42 =	vor.u32 v38, v42;
	s29 =	sor.u32 s26, s0;
	v40 =	vor.u32 v28, v40;
	v33 =	vld.idx.msk [tilespmem:v33+s11+$0x0], $0xffff;
	[tilespmem:s21+$0x2040] =	vst v32  }
0xfa: {  	v43 =	vor.u32 v17, v21;
	v21 =	vadd.s32 v1, v25;
	[tilespmem:s29+$0x2000] =	vst v34;
	v32 =	vld.idx.msk [tilespmem:v35+s11+$0x0], $0xffff  }
0xfb: {  	s26 =	sand.u32 $0x380, s25;
	v35 =	vor.u32 v26, v21;
	[tilespmem:s22+$0xFFFFFF90] =	vst v22;
	v34 =	vld.idx.msk [tilespmem:v41+s11+$0x0], $0xffff;
	v22 =	vadd.s32 v4, v27  }
0xfc: {  	s31 =	sadd.s32 $0xFFFFFF80, s25;
	s30 =	sadd.s32 s26, s0;
	v21 =	vadd.s32 v4, v36;
	v30 =	vld.idx.msk [tilespmem:v30+s11+$0x0], $0xffff;
	v22 =	vor.u32 v28, v22;
	[tilespmem:s23+$0x2050] =	vst v20  }
0xfd: {  	s26 =	sand.u32 $0x300, s31;
	v21 =	vor.u32 v38, v21;
	v20 =	vadd.s32 v4, v24;
	[tilespmem:s30+$0x2000] =	vst v23;
	v41 =	vld.idx.msk [tilespmem:v14+s11+$0x0], $0xffff  }
0xfe: {  	s26 =	sadd.s32 s26, s0;
	v23 =	vor.u32 v17, v20;
	v14 =	vadd.s32 v6, v27;
	v37 =	vld.idx.msk [tilespmem:v37+s11+$0x0], $0xffff;
	[tilespmem:s24+$0x2050] =	vst v19  }
0xff: {  	v20 =	vor.u32 v28, v14;
	v14 =	vadd.s32 v6, v36;
	[tilespmem:s26+$0x2000] =	vst v33;
	v33 =	vld.idx.msk [tilespmem:v16+s11+$0x0], $0xffff  }
0x100: {  	v16 =	vadd.s32 v7, v27;
	v19 =	vor.u32 v38, v14;
	v35 =	vld.idx.msk [tilespmem:v35+s11+$0x0], $0xffff;
	[tilespmem:s21+$0x2050] =	vst v32  }
0x101: {  	v14 =	vor.u32 v28, v16;
	v16 =	vadd.s32 v2, v25;
	[tilespmem:s29+$0x2010] =	vst v34;
	v34 =	vld.idx.msk [tilespmem:v18+s11+$0x0], $0xffff  }
0x102: {  	[tilespmem:s22+$0xFFFFFFA0] =	vst v30;
	v30 =	vld.idx.msk [tilespmem:v31+s11+$0x0], $0xffff;
	v31 =	vor.u32 v26, v16;
	v16 =	vadd.s32 v7, v36  }
0x103: {  	v18 =	vadd.s32 v6, v24;
	v29 =	vld.idx.msk [tilespmem:v29+s11+$0x0], $0xffff;
	v16 =	vor.u32 v38, v16;
	[tilespmem:s23+$0x2060] =	vst v41  }
0x104: {  	v27 =	vadd.s32 v5, v27;
	v18 =	vor.u32 v17, v18;
	[tilespmem:s30+$0x2010] =	vst v37;
	v37 =	vld.idx.msk [tilespmem:v11+s11+$0x0], $0xffff  }
0x105: {  	v11 =	vor.u32 v28, v27;
	v27 =	vadd.s32 v5, v36;
	v39 =	vld.idx.msk [tilespmem:v39+s11+$0x0], $0xffff;
	[tilespmem:s24+$0x2060] =	vst v33  }
0x106: {  	v28 =	vadd.s32 v7, v24;
	[tilespmem:s26+$0x2010] =	vst v35;
	v35 =	vld.idx.msk [tilespmem:v12+s11+$0x0], $0xffff;
	v12 =	vor.u32 v38, v27  }
0x107: {  	v24 =	vadd.s32 v5, v24;
	v33 =	vor.u32 v17, v28;
	v32 =	vld.idx.msk [tilespmem:v31+s11+$0x0], $0xffff;
	[tilespmem:s19+$0xFFFFFFE0] =	vst v34  }
.Ltmp2:
0x108: {  	v28 =	vor.u32 v17, v24;
	v17 =	vadd.s32 v3, v25;
	[tilespmem:s29+$0x2020] =	vst v30;
	v27 =	vld.idx.msk [tilespmem:v13+s11+$0x0], $0xffff;
	v13 =	vmov v33;
	(pc) =	sbr.rel @p0 .LBB2_7-.Ltmp2, $4  }
0x109: {  	v33 =	vor.u32 v26, v17;
	v17 =	vadd.s32 v5, v9;
	v9 =	vmov v25;
	[tilespmem:s22+$0xFFFFFFB0] =	vst v29;
	v31 =	vld.idx.msk [tilespmem:v40+s11+$0x0], $0xffff  }
0x10a: {  	v24 =	vadd.s32 v7, v9;
	v29 =	vor.u32 v10, v17;
	v10 =	vmov v26;
	v30 =	vld.idx.msk [tilespmem:v43+s11+$0x0], $0xffff;
	[tilespmem:s23+$0x2070] =	vst v37;
	s23 =	smov.u32 s29  }
0x10b: {  	[tilespmem:s30+$0x2020] =	vst v39;
	v25 =	vld.idx.msk [tilespmem:v15+s11+$0x0], $0xffff;
	v15 =	vor.u32 v10, v24  }
0x10c: {  	v17 =	vadd.s32 v6, v9;
	v24 =	vadd.s32 v4, v9;
	v26 =	vld.idx.msk [tilespmem:v42+s11+$0x0], $0xffff;
	[tilespmem:s24+$0x2070] =	vst v35;
	s24 =	smov.u32 s30  }
0x10d: {  	_ =	sdelay $0x2  }
0x10e: {  	[tilespmem:s26+$0x2020] =	vst v32  }
0x10f: {  	v0 =	vld.idx.msk [tilespmem:v33+s11+$0x0], $0xffff  }
0x110: {  	v1 =	vor.u32 v10, v24  }
0x111: {  	[tilespmem:s23+$0x2030] =	vst v31  }
0x112: {  	v2 =	vld.idx.msk [tilespmem:v22+s11+$0x0], $0xffff;
	[tilespmem:s22+$0xFFFFFFC0] =	vst v30  }
0x113: {  	v4 =	vld.idx.msk [tilespmem:v23+s11+$0x0], $0xffff;
	[tilespmem:s24+$0x2030] =	vst v26  }
0x114: {  	v3 =	vld.idx.msk [tilespmem:v21+s11+$0x0], $0xffff;
	[tilespmem:s26+$0x2030] =	vst v0  }
0x115: {  	v0 =	vld.idx.msk [tilespmem:v1+s11+$0x0], $0xffff  }
0x116: {  	v59 =	vor.u32 v10, v17  }
0x117: {  	[tilespmem:s23+$0x2040] =	vst v2  }
0x118: {  	v2 =	vld.idx.msk [tilespmem:v20+s11+$0x0], $0xffff;
	[tilespmem:s22+$0xFFFFFFD0] =	vst v4  }
0x119: {  	v60 =	vld.idx.msk [tilespmem:v18+s11+$0x0], $0xffff;
	[tilespmem:s24+$0x2040] =	vst v3  }
0x11a: {  	v3 =	vld.idx.msk [tilespmem:v19+s11+$0x0], $0xffff;
	[tilespmem:s26+$0x2040] =	vst v0  }
0x11b: {  	v1 =	vld.idx.msk [tilespmem:v59+s11+$0x0], $0xffff;
	_ =	sdelay $0x1  }
0x11c: {  	[tilespmem:s23+$0x2050] =	vst v2  }
0x11d: {  	v2 =	vld.idx.msk [tilespmem:v14+s11+$0x0], $0xffff;
	[tilespmem:s22+$0xFFFFFFE0] =	vst v60  }
0x11e: {  	v0 =	vld.idx.msk [tilespmem:v13+s11+$0x0], $0xffff;
	[tilespmem:s24+$0x2050] =	vst v3  }
0x11f: {  	v3 =	vld.idx.msk [tilespmem:v16+s11+$0x0], $0xffff;
	[tilespmem:s26+$0x2050] =	vst v1  }
0x120: {  	[tilespmem:s19+$0xFFFFFFF0] =	vst v27;
	v61 =	vadd.s32 v5, v9;
	v62 =	vld.idx.msk [tilespmem:v15+s11+$0x0], $0xffff  }
0x121: {  	v63 =	vld.idx.msk [tilespmem:v8+s11+$0x0], $0xffff;
	[tilespmem:s21+$0x2060] =	vst v25;
	v1 =	vor.u32 v10, v61  }
0x122: {  	v6 =	vld.idx.msk [tilespmem:v29+s11+$0x0], $0xffff;
	[tilespmem:s23+$0x2060] =	vst v2  }
0x123: {  	v2 =	vld.idx.msk [tilespmem:v11+s11+$0x0], $0xffff;
	[tilespmem:s22+$0xFFFFFFF0] =	vst v0  }
0x124: {  	v0 =	vld.idx.msk [tilespmem:v28+s11+$0x0], $0xffff;
	[tilespmem:s24+$0x2060] =	vst v3  }
0x125: {  	v3 =	vld.idx.msk [tilespmem:v12+s11+$0x0], $0xffff;
	[tilespmem:s26+$0x2060] =	vst v62  }
0x126: {  	s18 =	sadd.s32 $0x1, s18;
	[tilespmem:s19+$0x0] =	vst v63;
	v1 =	vld.idx.msk [tilespmem:v1+s11+$0x0], $0xffff  }
0x127: {  	p0 =	sne.s32 s18, $0x64;
	[tilespmem:s21+$0x2070] =	vst v6  }
.Ltmp3:
0x128: {  	s0 =	sshll.u32 s20, $0x12;
	[tilespmem:s23+$0x2070] =	vst v2;
	(pc) =	sbr.rel @p0 .LBB2_4-.Ltmp3, $4  }
0x129: {  	s0 =	sor.u32 s4, s0;
	[tilespmem:s22+$0x0] =	vst v0  }
0x12a: {  	s0 =	sshrl.u32 s0, $0x3;
	[tilespmem:s24+$0x2070] =	vst v3  }
0x12b: {  	s0 =	sadd.s32 s2, s0;
	[tilespmem:s26+$0x2070] =	vst v1  }
0x12c: {  	[hbm4b:s0+s9] =	stream.strided.scatter [tilespmem:s13], [sflag:$0x2], $0x2000, s10, s9, $0x38;
	[tilespmem:$0x1BD40] =	vst v63  }
0x12d: {  	s16 =	sadd.s32 $0x1, s16  }
0x12e: {  	_ =	swait.ge [sflag:s14], $0x2000;
	p0 =	sne.s32 s16, s7  }
.Ltmp4:
0x12f: {  	[sflag:s14] =	ssyncset.done $0x0;
	(pc) =	sbr.rel @p0 .LBB2_1-.Ltmp4, $4  }
0x130: {  	[sflag:s14] =	ssyncadd.s32 $0xFFFFE000  }
0x131: {  	_ =	swait.ge [sflag:s15], $0x2000  }
0x132: {  	[sflag:s15] =	ssyncset.done $0x0  }
0x133: {  	[sflag:s15] =	ssyncadd.s32 $0xFFFFE000  }
0x134: {  	_ =	sfence.sel $0x180000  }
0x135: {  	[bflag:$0x0] =	sbarrier.arrive $0xFFFF  }
0x136: {  	_ =	strace $0x90000047  }
0x137: {  	[bflag:$0x2] =	sbarrier.arrive $0xFFFF  }
0x138: {  	p0 =	sne.s32 s1, $0x0;
	s0 =	rddreg [dreg:$0x3]  }
0x139: {  	s0 =	sadd.s32 @!p0 $0x100000, s0  }
0x13a: {  	[sflag:s0] =	ssyncadd.tile.s32 @!p0 $0x1;
	_ =	shalt  }
.Lfunc_end2:
_tile_overlayer_lowered:
.L_overlay_start_2:
0x13b: {  	(tag) =	ssettag $0x2  }
0x13c: {  	s0 =	rddreg [dreg:$0x0];
	s2 =	stileid.u32  }
0x13d: {  	s1 =	rddreg [dreg:$0x1];
	p0 =	sne.s32 s2, $0x0  }
0x13e: {  	s3 =	rddreg [dreg:$0x2];
	[bflag:$0x3] =	sbarrier.arrive $0xFFFF;
	s2 =	simm.s32 @!p0 $0x1C03  }
0x13f: {  	[timem:s3], [sflag:s2] =	dma.local @!p0 [hbm:s0], s1  }
0x140: {  	s0 =	simm.s32 @!p0 $0x3  }
0x141: {  	_ =	swait.ge @!p0 [sflag:s0], s1  }
0x142: {  	s1 =	ssub.s32 @!p0 $0x0, s1;
	[sflag:s0] =	ssyncset.done @!p0 $0x0  }
0x143: {  	[sflag:s0] =	ssyncadd.s32 @!p0 s1  }
0x144: {  	[bflag:$0x3] =	sbarrier.arrive $0xFFFF  }
0x145: {  	_ =	shalt  }

</sc_bundles>
